<compile_context>
chip_gen: v7x
topology: tpu7x:2x2x1
jax: 0.10.2.dev20260603
libtpu: 0.0.44.dev20260713+nightly
codegen_flags: <defaults>
</compile_context>

<pallas_src>
import functools

import jax
import jax.numpy as jnp
from jax import lax
from jax.experimental import pallas as pl
from jax.experimental.pallas import tpu as pltpu
from jax.experimental.pallas import tpu_sc as plsc

EMBED_DIM = 600
MAIN_DIM = 512
TAIL_DIM = 88
TAIL_PAD = 128
NUM_WORKERS = 32
ROWS = 64
CHUNKS = 100


def _embed_gather(idx3d, table, tail):
    mesh = plsc.VectorSubcoreMesh(core_axis_name="c", subcore_axis_name="s")

    @functools.partial(
        pl.kernel,
        mesh=mesh,
        compiler_params=pltpu.CompilerParams(needs_layout_passes=False),
        out_type=jax.ShapeDtypeStruct(
            (NUM_WORKERS, CHUNKS, ROWS, EMBED_DIM), jnp.float32
        ),
        scratch_types=[
            pltpu.VMEM((CHUNKS, ROWS), jnp.int32),
            pltpu.VMEM((2, ROWS, EMBED_DIM), jnp.float32),
            pltpu.VMEM((2, ROWS, TAIL_PAD), jnp.float32),
            pltpu.SemaphoreType.DMA((2,)),
            pltpu.SemaphoreType.DMA((2,)),
        ],
    )
    def k(idx_hbm, table_hbm, tail_hbm, out_hbm, idx_v, stage_v, tail_v, sems, sems_t):
        wid = lax.axis_index("s") * 2 + lax.axis_index("c")
        pltpu.sync_copy(idx_hbm.at[wid], idx_v)

        def start_gathers(g, b):
            pltpu.async_copy(
                table_hbm.at[idx_v.at[g], pl.ds(0, MAIN_DIM)],
                stage_v.at[b, :, pl.ds(0, MAIN_DIM)],
                sems.at[b],
            )
            pltpu.async_copy(tail_hbm.at[idx_v.at[g]], tail_v.at[b], sems_t.at[b])

        start_gathers(0, 0)

        def body(g, carry):
            b = lax.rem(g, 2)
            nb = lax.rem(g + 1, 2)

            @pl.when(g + 1 < CHUNKS)
            def _():
                start_gathers(g + 1, nb)

            pltpu.make_async_copy(
                table_hbm.at[idx_v.at[g], pl.ds(0, MAIN_DIM)],
                stage_v.at[b, :, pl.ds(0, MAIN_DIM)],
                sems.at[b],
            ).wait()
            pltpu.make_async_copy(
                tail_hbm.at[idx_v.at[g]], tail_v.at[b], sems_t.at[b]
            ).wait()

            lane = lax.iota(jnp.int32, 16)
            tail_mask = lane < (TAIL_DIM - 80)
            col_idx = jnp.minimum(MAIN_DIM + 80 + lane, EMBED_DIM - 1)

            def merge_row(r, c):
                for i in range(5):
                    stage_v[b, r, pl.ds(MAIN_DIM + i * 16, 16)] = tail_v[
                        b, r, pl.ds(i * 16, 16)
                    ]
                plsc.store_scatter(
                    stage_v,
                    [jnp.full((16,), b, jnp.int32), jnp.full((16,), r, jnp.int32),
                     col_idx],
                    tail_v[b, r, pl.ds(80, 16)],
                    mask=tail_mask,
                )
                return c

            lax.fori_loop(0, ROWS, merge_row, 0)

            pltpu.sync_copy(stage_v.at[b], out_hbm.at[wid, g])
            return carry

        lax.fori_loop(0, CHUNKS, body, 0)

    return k(idx3d, table, tail)


def kernel(batch, table):
    B, L = batch.shape
    idx3d = batch.reshape(NUM_WORKERS, CHUNKS, ROWS)
    tail = jnp.pad(table[:, MAIN_DIM:], ((0, 0), (0, TAIL_PAD - TAIL_DIM)))
    out = _embed_gather(idx3d, table, tail)
    return out.reshape(B, L, EMBED_DIM)

# --- scband reference (transcript-rebuilt; emitter-appended) ---
"""Pipeline reference for scband-concat-embedder-81312320848159 (READ-ONLY COPY).

The authoritative reference and input builder live on the scoring server;
editing this copy changes nothing except your own understanding.
"""

import jax, jax.numpy as jnp
import numpy as np

VOCAB = 100000
EMBED_DIM = 600
B = 1024
L = 200

def setup_inputs(seed: int = 0) -> dict:
    key = jax.random.key(seed)
    k_idx, k_tab = jax.random.split(key)
    batch = jax.random.randint(k_idx, (B, L), 0, VOCAB, dtype=jnp.int64 if jax.config.jax_enable_x64 else jnp.int32)
    table = jax.random.normal(k_tab, (VOCAB, EMBED_DIM), dtype=jnp.float32)
    return {"batch": batch, "table": table}

def reference(batch, table):
    # nn.Embedding.from_pretrained lookup: table[batch]
    emb = jnp.take(table, batch, axis=0)
    # nn.Dropout(p=0.2) in eval/inference mode is identity; kept deterministic here.
    out = emb
    return out

if __name__ == "__main__":
    import jax
    _d = setup_inputs()
    print(jax.jit(kernel)(*tuple(_d.values())))

</pallas_src>

<mosaic_0001>
#map = affine_map<(d0, d1) -> (0, 0, 0)>
#map1 = affine_map<(d0, d1) -> (0, 0)>
#map2 = affine_map<(d0, d1) -> (0, 0, 0, 0)>
module attributes {stable_mosaic.version = 14 : i64} {
  func.func @k(%arg0: i32, %arg1: i32, %arg2: memref<32x100x64xi32, #tpu.memory_space<hbm>>, %arg3: memref<100000x600xf32, #tpu.memory_space<hbm>>, %arg4: memref<100000x128xf32, #tpu.memory_space<hbm>>, %arg5: memref<32x100x64x600xf32, #tpu.memory_space<hbm>>, %arg6: memref<100x64xi32, #tpu.memory_space<vmem>>, %arg7: memref<2x64x600xf32, #tpu.memory_space<vmem>>, %arg8: memref<2x64x128xf32, #tpu.memory_space<vmem>>, %arg9: memref<2x!tpu.dma_semaphore, #tpu.memory_space<semaphore_mem>>, %arg10: memref<2x!tpu.dma_semaphore, #tpu.memory_space<semaphore_mem>>) attributes {dimension_semantics = [#tpu.dimension_semantics<core_parallel>, #tpu.dimension_semantics<subcore_parallel>], iteration_bounds = array<i64: 2, 16>, scalar_prefetch = 0 : i64, scratch_operands = 5 : i64, tpu.core_type = #tpu.core_type<sc_vector_subcore>, window_params = [{transform_indices = #map}, {transform_indices = #map1}, {transform_indices = #map1}, {transform_indices = #map2}]} {
    %mul3A = arith.constant 2 : i32
    %mul3A_0 = arith.muli %arg1, %mul3A : i32
    %add3A = arith.addi %mul3A_0, %arg0 : i32
    "tpu.region"() ({
      %run_scoped3A = tpu.sem_alloc : memref<!tpu.dma_semaphore, #tpu.memory_space<semaphore_mem>>
      %dma_start3A_35 = arith.constant 0 : i32
      %dma_start3A_36 = arith.constant 0 : i32
      %dma_start3A_37 = tpu.memref_slice %arg2[%add3A, %dma_start3A_35, %dma_start3A_36] : memref<32x100x64xi32, #tpu.memory_space<hbm>> -> memref<1x100x64xi32, #tpu.memory_space<hbm>>
      %dma_start3A_38 = tpu.memref_squeeze %dma_start3A_37 : memref<1x100x64xi32, #tpu.memory_space<hbm>> -> memref<100x64xi32, #tpu.memory_space<hbm>>
      %dma_start3A_39 = arith.constant 0 : i32
      %dma_start3A_40 = arith.constant 0 : i32
      %dma_start3A_41 = tpu.memref_slice %arg2[%add3A, %dma_start3A_39, %dma_start3A_40] : memref<32x100x64xi32, #tpu.memory_space<hbm>> -> memref<1x100x64xi32, #tpu.memory_space<hbm>>
      %dma_start3A_42 = tpu.memref_squeeze %dma_start3A_41 : memref<1x100x64xi32, #tpu.memory_space<hbm>> -> memref<100x64xi32, #tpu.memory_space<hbm>>
      tpu.enqueue_dma source(%dma_start3A_42 : memref<100x64xi32, #tpu.memory_space<hbm>>) target(%arg6 : memref<100x64xi32, #tpu.memory_space<vmem>>) target_semaphore(%run_scoped3A : memref<!tpu.dma_semaphore, #tpu.memory_space<semaphore_mem>>)
      %dma_wait3A = arith.constant 0 : i32
      %dma_wait3A_43 = arith.constant 0 : i32
      %dma_wait3A_44 = tpu.memref_slice %arg2[%add3A, %dma_wait3A, %dma_wait3A_43] : memref<32x100x64xi32, #tpu.memory_space<hbm>> -> memref<1x100x64xi32, #tpu.memory_space<hbm>>
      %dma_wait3A_45 = tpu.memref_squeeze %dma_wait3A_44 : memref<1x100x64xi32, #tpu.memory_space<hbm>> -> memref<100x64xi32, #tpu.memory_space<hbm>>
      %dma_wait3A_46 = arith.constant 0 : i32
      %dma_wait3A_47 = arith.constant 0 : i32
      %dma_wait3A_48 = tpu.memref_slice %arg2[%add3A, %dma_wait3A_46, %dma_wait3A_47] : memref<32x100x64xi32, #tpu.memory_space<hbm>> -> memref<1x100x64xi32, #tpu.memory_space<hbm>>
      %dma_wait3A_49 = tpu.memref_squeeze %dma_wait3A_48 : memref<1x100x64xi32, #tpu.memory_space<hbm>> -> memref<100x64xi32, #tpu.memory_space<hbm>>
      tpu.wait_dma2 semaphore(%run_scoped3A : memref<!tpu.dma_semaphore, #tpu.memory_space<semaphore_mem>>) src(%dma_wait3A_49 : memref<100x64xi32, #tpu.memory_space<hbm>>) dst(%arg6 : memref<100x64xi32, #tpu.memory_space<vmem>>)
      tpu.yield
    }) : () -> ()
    %dma_start3A = arith.constant 0 : i32
    %dma_start3A_1 = arith.constant 0 : i32
    %dma_start3A_2 = arith.constant 0 : i32
    %dma_start3A_3 = arith.constant 0 : i32
    %dma_start3A_4 = arith.constant 0 : i32
    %dma_start3A_5 = tpu.memref_slice %arg7[%dma_start3A_1, %dma_start3A_3, %dma_start3A_4] : memref<2x64x600xf32, #tpu.memory_space<vmem>> -> memref<1x64x512xf32, #tpu.memory_space<vmem>>
    %dma_start3A_6 = tpu.memref_squeeze %dma_start3A_5 : memref<1x64x512xf32, #tpu.memory_space<vmem>> -> memref<64x512xf32, #tpu.memory_space<vmem>>
    %dma_start3A_7 = arith.constant 0 : i32
    %dma_start3A_8 = tpu.memref_slice %arg6[%dma_start3A, %dma_start3A_7] : memref<100x64xi32, #tpu.memory_space<vmem>> -> memref<1x64xi32, #tpu.memory_space<vmem>>
    %dma_start3A_9 = tpu.memref_squeeze %dma_start3A_8 : memref<1x64xi32, #tpu.memory_space<vmem>> -> memref<64xi32, #tpu.memory_space<vmem>>
    %dma_start3A_10 = arith.constant 0 : i32
    %dma_start3A_11 = arith.constant 0 : i32
    %dma_start3A_12 = tpu.memref_slice %arg3[%dma_start3A_10, %dma_start3A_11] : memref<100000x600xf32, #tpu.memory_space<hbm>> -> memref<100000x512xf32, #tpu.memory_space<hbm>>
    %dma_start3A_13 = tpu.memref_slice %arg9[%dma_start3A_2] : memref<2x!tpu.dma_semaphore, #tpu.memory_space<semaphore_mem>> -> memref<1x!tpu.dma_semaphore, #tpu.memory_space<semaphore_mem>>
    %dma_start3A_14 = tpu.memref_squeeze %dma_start3A_13 : memref<1x!tpu.dma_semaphore, #tpu.memory_space<semaphore_mem>> -> memref<!tpu.dma_semaphore, #tpu.memory_space<semaphore_mem>>
    tpu.enqueue_indirect_dma source(%dma_start3A_12 : memref<100000x512xf32, #tpu.memory_space<hbm>>) target(%dma_start3A_6 : memref<64x512xf32, #tpu.memory_space<vmem>>) offsets(%dma_start3A_9 : memref<64xi32, #tpu.memory_space<vmem>>) semaphore(%dma_start3A_14 : memref<!tpu.dma_semaphore, #tpu.memory_space<semaphore_mem>>)
    %dma_start3A_15 = arith.constant 0 : i32
    %dma_start3A_16 = arith.constant 0 : i32
    %dma_start3A_17 = arith.constant 0 : i32
    %dma_start3A_18 = arith.constant 0 : i32
    %dma_start3A_19 = arith.constant 0 : i32
    %dma_start3A_20 = tpu.memref_slice %arg8[%dma_start3A_16, %dma_start3A_18, %dma_start3A_19] : memref<2x64x128xf32, #tpu.memory_space<vmem>> -> memref<1x64x128xf32, #tpu.memory_space<vmem>>
    %dma_start3A_21 = tpu.memref_squeeze %dma_start3A_20 : memref<1x64x128xf32, #tpu.memory_space<vmem>> -> memref<64x128xf32, #tpu.memory_space<vmem>>
    %dma_start3A_22 = arith.constant 0 : i32
    %dma_start3A_23 = tpu.memref_slice %arg6[%dma_start3A_15, %dma_start3A_22] : memref<100x64xi32, #tpu.memory_space<vmem>> -> memref<1x64xi32, #tpu.memory_space<vmem>>
    %dma_start3A_24 = tpu.memref_squeeze %dma_start3A_23 : memref<1x64xi32, #tpu.memory_space<vmem>> -> memref<64xi32, #tpu.memory_space<vmem>>
    %dma_start3A_25 = arith.constant 0 : i32
    %dma_start3A_26 = arith.constant 0 : i32
    %dma_start3A_27 = tpu.memref_slice %arg4[%dma_start3A_25, %dma_start3A_26] : memref<100000x128xf32, #tpu.memory_space<hbm>> -> memref<100000x128xf32, #tpu.memory_space<hbm>>
    %dma_start3A_28 = tpu.memref_slice %arg10[%dma_start3A_17] : memref<2x!tpu.dma_semaphore, #tpu.memory_space<semaphore_mem>> -> memref<1x!tpu.dma_semaphore, #tpu.memory_space<semaphore_mem>>
    %dma_start3A_29 = tpu.memref_squeeze %dma_start3A_28 : memref<1x!tpu.dma_semaphore, #tpu.memory_space<semaphore_mem>> -> memref<!tpu.dma_semaphore, #tpu.memory_space<semaphore_mem>>
    tpu.enqueue_indirect_dma source(%dma_start3A_27 : memref<100000x128xf32, #tpu.memory_space<hbm>>) target(%dma_start3A_21 : memref<64x128xf32, #tpu.memory_space<vmem>>) offsets(%dma_start3A_24 : memref<64xi32, #tpu.memory_space<vmem>>) semaphore(%dma_start3A_29 : memref<!tpu.dma_semaphore, #tpu.memory_space<semaphore_mem>>)
    %scan3A = arith.constant 0 : i32
    %scan3A_30 = arith.constant 0 : i32
    %scan3A_31 = arith.constant 100 : i32
    %scan3A_32 = arith.addi %scan3A_30, %scan3A_31 : i32
    %scan3A_33 = arith.constant 1 : i32
    scf.for %scan3A_35 = %scan3A_30 to %scan3A_32 step %scan3A_33  : i32 {
      %rem3A = arith.constant 2 : i32
      %rem3A_36 = arith.remsi %scan3A_35, %rem3A : i32
      %add3A_37 = arith.constant 1 : i32
      %add3A_38 = arith.addi %scan3A_35, %add3A_37 : i32
      %rem3A_39 = arith.constant 2 : i32
      %rem3A_40 = arith.remsi %add3A_38, %rem3A_39 : i32
      %add3A_41 = arith.constant 1 : i32
      %add3A_42 = arith.addi %scan3A_35, %add3A_41 : i32
      %lt3A = arith.constant 100 : i32
      %lt3A_43 = arith.cmpi slt, %add3A_42, %lt3A : i32
      %convert_element_type3A = arith.extui %lt3A_43 : i1 to i32
      %cond3A = arith.constant 0 : i32
      %cond3A_44 = arith.cmpi ne, %convert_element_type3A, %cond3A : i32
      scf.if %cond3A_44 {
        %add3A_82 = arith.constant 1 : i32
        %add3A_83 = arith.addi %scan3A_35, %add3A_82 : i32
        %dma_start3A_84 = arith.constant 0 : i32
        %dma_start3A_85 = arith.constant 0 : i32
        %dma_start3A_86 = tpu.memref_slice %arg7[%rem3A_40, %dma_start3A_84, %dma_start3A_85] : memref<2x64x600xf32, #tpu.memory_space<vmem>> -> memref<1x64x512xf32, #tpu.memory_space<vmem>>
        %dma_start3A_87 = tpu.memref_squeeze %dma_start3A_86 : memref<1x64x512xf32, #tpu.memory_space<vmem>> -> memref<64x512xf32, #tpu.memory_space<vmem>>
        %dma_start3A_88 = arith.constant 0 : i32
        %dma_start3A_89 = tpu.memref_slice %arg6[%add3A_83, %dma_start3A_88] : memref<100x64xi32, #tpu.memory_space<vmem>> -> memref<1x64xi32, #tpu.memory_space<vmem>>
        %dma_start3A_90 = tpu.memref_squeeze %dma_start3A_89 : memref<1x64xi32, #tpu.memory_space<vmem>> -> memref<64xi32, #tpu.memory_space<vmem>>
        %dma_start3A_91 = arith.constant 0 : i32
        %dma_start3A_92 = arith.constant 0 : i32
        %dma_start3A_93 = tpu.memref_slice %arg3[%dma_start3A_91, %dma_start3A_92] : memref<100000x600xf32, #tpu.memory_space<hbm>> -> memref<100000x512xf32, #tpu.memory_space<hbm>>
        %dma_start3A_94 = tpu.memref_slice %arg9[%rem3A_40] : memref<2x!tpu.dma_semaphore, #tpu.memory_space<semaphore_mem>> -> memref<1x!tpu.dma_semaphore, #tpu.memory_space<semaphore_mem>>
        %dma_start3A_95 = tpu.memref_squeeze %dma_start3A_94 : memref<1x!tpu.dma_semaphore, #tpu.memory_space<semaphore_mem>> -> memref<!tpu.dma_semaphore, #tpu.memory_space<semaphore_mem>>
        tpu.enqueue_indirect_dma source(%dma_start3A_93 : memref<100000x512xf32, #tpu.memory_space<hbm>>) target(%dma_start3A_87 : memref<64x512xf32, #tpu.memory_space<vmem>>) offsets(%dma_start3A_90 : memref<64xi32, #tpu.memory_space<vmem>>) semaphore(%dma_start3A_95 : memref<!tpu.dma_semaphore, #tpu.memory_space<semaphore_mem>>)
        %dma_start3A_96 = arith.constant 0 : i32
        %dma_start3A_97 = arith.constant 0 : i32
        %dma_start3A_98 = tpu.memref_slice %arg8[%rem3A_40, %dma_start3A_96, %dma_start3A_97] : memref<2x64x128xf32, #tpu.memory_space<vmem>> -> memref<1x64x128xf32, #tpu.memory_space<vmem>>
        %dma_start3A_99 = tpu.memref_squeeze %dma_start3A_98 : memref<1x64x128xf32, #tpu.memory_space<vmem>> -> memref<64x128xf32, #tpu.memory_space<vmem>>
        %dma_start3A_100 = arith.constant 0 : i32
        %dma_start3A_101 = tpu.memref_slice %arg6[%add3A_83, %dma_start3A_100] : memref<100x64xi32, #tpu.memory_space<vmem>> -> memref<1x64xi32, #tpu.memory_space<vmem>>
        %dma_start3A_102 = tpu.memref_squeeze %dma_start3A_101 : memref<1x64xi32, #tpu.memory_space<vmem>> -> memref<64xi32, #tpu.memory_space<vmem>>
        %dma_start3A_103 = arith.constant 0 : i32
        %dma_start3A_104 = arith.constant 0 : i32
        %dma_start3A_105 = tpu.memref_slice %arg4[%dma_start3A_103, %dma_start3A_104] : memref<100000x128xf32, #tpu.memory_space<hbm>> -> memref<100000x128xf32, #tpu.memory_space<hbm>>
        %dma_start3A_106 = tpu.memref_slice %arg10[%rem3A_40] : memref<2x!tpu.dma_semaphore, #tpu.memory_space<semaphore_mem>> -> memref<1x!tpu.dma_semaphore, #tpu.memory_space<semaphore_mem>>
        %dma_start3A_107 = tpu.memref_squeeze %dma_start3A_106 : memref<1x!tpu.dma_semaphore, #tpu.memory_space<semaphore_mem>> -> memref<!tpu.dma_semaphore, #tpu.memory_space<semaphore_mem>>
        tpu.enqueue_indirect_dma source(%dma_start3A_105 : memref<100000x128xf32, #tpu.memory_space<hbm>>) target(%dma_start3A_99 : memref<64x128xf32, #tpu.memory_space<vmem>>) offsets(%dma_start3A_102 : memref<64xi32, #tpu.memory_space<vmem>>) semaphore(%dma_start3A_107 : memref<!tpu.dma_semaphore, #tpu.memory_space<semaphore_mem>>)
      } else {
      }
      %dma_wait3A = arith.constant 0 : i32
      %dma_wait3A_45 = arith.constant 0 : i32
      %dma_wait3A_46 = tpu.memref_slice %arg7[%rem3A_36, %dma_wait3A, %dma_wait3A_45] : memref<2x64x600xf32, #tpu.memory_space<vmem>> -> memref<1x64x512xf32, #tpu.memory_space<vmem>>
      %dma_wait3A_47 = tpu.memref_squeeze %dma_wait3A_46 : memref<1x64x512xf32, #tpu.memory_space<vmem>> -> memref<64x512xf32, #tpu.memory_space<vmem>>
      %dma_wait3A_48 = arith.constant 0 : i32
      %dma_wait3A_49 = tpu.memref_slice %arg6[%scan3A_35, %dma_wait3A_48] : memref<100x64xi32, #tpu.memory_space<vmem>> -> memref<1x64xi32, #tpu.memory_space<vmem>>
      %dma_wait3A_50 = tpu.memref_squeeze %dma_wait3A_49 : memref<1x64xi32, #tpu.memory_space<vmem>> -> memref<64xi32, #tpu.memory_space<vmem>>
      %dma_wait3A_51 = arith.constant 0 : i32
      %dma_wait3A_52 = arith.constant 0 : i32
      %dma_wait3A_53 = tpu.memref_slice %arg3[%dma_wait3A_51, %dma_wait3A_52] : memref<100000x600xf32, #tpu.memory_space<hbm>> -> memref<100000x512xf32, #tpu.memory_space<hbm>>
      %dma_wait3A_54 = tpu.memref_slice %arg9[%rem3A_36] : memref<2x!tpu.dma_semaphore, #tpu.memory_space<semaphore_mem>> -> memref<1x!tpu.dma_semaphore, #tpu.memory_space<semaphore_mem>>
      %dma_wait3A_55 = tpu.memref_squeeze %dma_wait3A_54 : memref<1x!tpu.dma_semaphore, #tpu.memory_space<semaphore_mem>> -> memref<!tpu.dma_semaphore, #tpu.memory_space<semaphore_mem>>
      tpu.wait_indirect_dma semaphore(%dma_wait3A_55 : memref<!tpu.dma_semaphore, #tpu.memory_space<semaphore_mem>>) src(%dma_wait3A_53 : memref<100000x512xf32, #tpu.memory_space<hbm>>) dst(%dma_wait3A_47 : memref<64x512xf32, #tpu.memory_space<vmem>>)
      %dma_wait3A_56 = arith.constant 0 : i32
      %dma_wait3A_57 = arith.constant 0 : i32
      %dma_wait3A_58 = tpu.memref_slice %arg8[%rem3A_36, %dma_wait3A_56, %dma_wait3A_57] : memref<2x64x128xf32, #tpu.memory_space<vmem>> -> memref<1x64x128xf32, #tpu.memory_space<vmem>>
      %dma_wait3A_59 = tpu.memref_squeeze %dma_wait3A_58 : memref<1x64x128xf32, #tpu.memory_space<vmem>> -> memref<64x128xf32, #tpu.memory_space<vmem>>
      %dma_wait3A_60 = arith.constant 0 : i32
      %dma_wait3A_61 = tpu.memref_slice %arg6[%scan3A_35, %dma_wait3A_60] : memref<100x64xi32, #tpu.memory_space<vmem>> -> memref<1x64xi32, #tpu.memory_space<vmem>>
      %dma_wait3A_62 = tpu.memref_squeeze %dma_wait3A_61 : memref<1x64xi32, #tpu.memory_space<vmem>> -> memref<64xi32, #tpu.memory_space<vmem>>
      %dma_wait3A_63 = arith.constant 0 : i32
      %dma_wait3A_64 = arith.constant 0 : i32
      %dma_wait3A_65 = tpu.memref_slice %arg4[%dma_wait3A_63, %dma_wait3A_64] : memref<100000x128xf32, #tpu.memory_space<hbm>> -> memref<100000x128xf32, #tpu.memory_space<hbm>>
      %dma_wait3A_66 = tpu.memref_slice %arg10[%rem3A_36] : memref<2x!tpu.dma_semaphore, #tpu.memory_space<semaphore_mem>> -> memref<1x!tpu.dma_semaphore, #tpu.memory_space<semaphore_mem>>
      %dma_wait3A_67 = tpu.memref_squeeze %dma_wait3A_66 : memref<1x!tpu.dma_semaphore, #tpu.memory_space<semaphore_mem>> -> memref<!tpu.dma_semaphore, #tpu.memory_space<semaphore_mem>>
      tpu.wait_indirect_dma semaphore(%dma_wait3A_67 : memref<!tpu.dma_semaphore, #tpu.memory_space<semaphore_mem>>) src(%dma_wait3A_65 : memref<100000x128xf32, #tpu.memory_space<hbm>>) dst(%dma_wait3A_59 : memref<64x128xf32, #tpu.memory_space<vmem>>)
      %iota3A = tpu.iota {dimensions = array<i32: 0>} : vector<16xi32>
      %lt3A_68 = arith.constant 8 : i32
      %lt3A_69 = vector.broadcast %lt3A_68 : i32 to vector<16xi32>
      %lt3A_70 = arith.cmpi slt, %iota3A, %lt3A_69 : vector<16xi32>
      %add3A_71 = arith.constant 592 : i32
      %add3A_72 = vector.broadcast %add3A_71 : i32 to vector<16xi32>
      %add3A_73 = arith.addi %add3A_72, %iota3A : vector<16xi32>
      %min3A = arith.constant 599 : i32
      %min3A_74 = vector.broadcast %min3A : i32 to vector<16xi32>
      %min3A_75 = arith.minsi %add3A_73, %min3A_74 : vector<16xi32>
      %scan3A_76 = arith.constant 0 : i32
      %scan3A_77 = arith.constant 0 : i32
      %scan3A_78 = arith.constant 64 : i32
      %scan3A_79 = arith.addi %scan3A_77, %scan3A_78 : i32
      %scan3A_80 = arith.constant 1 : i32
      scf.for %scan3A_82 = %scan3A_77 to %scan3A_79 step %scan3A_80  : i32 {
        %get3A = arith.index_cast %rem3A_36 : i32 to index
        %get3A_83 = arith.index_cast %scan3A_82 : i32 to index
        %get3A_84 = arith.constant 0 : index
        %get3A_85 = tpu.vector_load %arg8[%get3A, %get3A_83, %get3A_84] {strides = array<i32>} : memref<2x64x128xf32, #tpu.memory_space<vmem>>, vector<16xf32>,
        %swap3A = arith.index_cast %rem3A_36 : i32 to index
        %swap3A_86 = arith.index_cast %scan3A_82 : i32 to index
        %swap3A_87 = arith.constant 512 : index
        %swap3A_88 = tpu.vector_load %arg7[%swap3A, %swap3A_86, %swap3A_87] {strides = array<i32>} : memref<2x64x600xf32, #tpu.memory_space<vmem>>, vector<16xf32>,
        tpu.vector_store %arg7[%swap3A, %swap3A_86, %swap3A_87], %get3A_85 {strides = array<i32>} : memref<2x64x600xf32, #tpu.memory_space<vmem>>, vector<16xf32>,
        %get3A_89 = arith.index_cast %rem3A_36 : i32 to index
        %get3A_90 = arith.index_cast %scan3A_82 : i32 to index
        %get3A_91 = arith.constant 16 : index
        %get3A_92 = tpu.vector_load %arg8[%get3A_89, %get3A_90, %get3A_91] {strides = array<i32>} : memref<2x64x128xf32, #tpu.memory_space<vmem>>, vector<16xf32>,
        %swap3A_93 = arith.index_cast %rem3A_36 : i32 to index
        %swap3A_94 = arith.index_cast %scan3A_82 : i32 to index
        %swap3A_95 = arith.constant 528 : index
        %swap3A_96 = tpu.vector_load %arg7[%swap3A_93, %swap3A_94, %swap3A_95] {strides = array<i32>} : memref<2x64x600xf32, #tpu.memory_space<vmem>>, vector<16xf32>,
        tpu.vector_store %arg7[%swap3A_93, %swap3A_94, %swap3A_95], %get3A_92 {strides = array<i32>} : memref<2x64x600xf32, #tpu.memory_space<vmem>>, vector<16xf32>,
        %get3A_97 = arith.index_cast %rem3A_36 : i32 to index
        %get3A_98 = arith.index_cast %scan3A_82 : i32 to index
        %get3A_99 = arith.constant 32 : index
        %get3A_100 = tpu.vector_load %arg8[%get3A_97, %get3A_98, %get3A_99] {strides = array<i32>} : memref<2x64x128xf32, #tpu.memory_space<vmem>>, vector<16xf32>,
        %swap3A_101 = arith.index_cast %rem3A_36 : i32 to index
        %swap3A_102 = arith.index_cast %scan3A_82 : i32 to index
        %swap3A_103 = arith.constant 544 : index
        %swap3A_104 = tpu.vector_load %arg7[%swap3A_101, %swap3A_102, %swap3A_103] {strides = array<i32>} : memref<2x64x600xf32, #tpu.memory_space<vmem>>, vector<16xf32>,
        tpu.vector_store %arg7[%swap3A_101, %swap3A_102, %swap3A_103], %get3A_100 {strides = array<i32>} : memref<2x64x600xf32, #tpu.memory_space<vmem>>, vector<16xf32>,
        %get3A_105 = arith.index_cast %rem3A_36 : i32 to index
        %get3A_106 = arith.index_cast %scan3A_82 : i32 to index
        %get3A_107 = arith.constant 48 : index
        %get3A_108 = tpu.vector_load %arg8[%get3A_105, %get3A_106, %get3A_107] {strides = array<i32>} : memref<2x64x128xf32, #tpu.memory_space<vmem>>, vector<16xf32>,
        %swap3A_109 = arith.index_cast %rem3A_36 : i32 to index
        %swap3A_110 = arith.index_cast %scan3A_82 : i32 to index
        %swap3A_111 = arith.constant 560 : index
        %swap3A_112 = tpu.vector_load %arg7[%swap3A_109, %swap3A_110, %swap3A_111] {strides = array<i32>} : memref<2x64x600xf32, #tpu.memory_space<vmem>>, vector<16xf32>,
        tpu.vector_store %arg7[%swap3A_109, %swap3A_110, %swap3A_111], %get3A_108 {strides = array<i32>} : memref<2x64x600xf32, #tpu.memory_space<vmem>>, vector<16xf32>,
        %get3A_113 = arith.index_cast %rem3A_36 : i32 to index
        %get3A_114 = arith.index_cast %scan3A_82 : i32 to index
        %get3A_115 = arith.constant 64 : index
        %get3A_116 = tpu.vector_load %arg8[%get3A_113, %get3A_114, %get3A_115] {strides = array<i32>} : memref<2x64x128xf32, #tpu.memory_space<vmem>>, vector<16xf32>,
        %swap3A_117 = arith.index_cast %rem3A_36 : i32 to index
        %swap3A_118 = arith.index_cast %scan3A_82 : i32 to index
        %swap3A_119 = arith.constant 576 : index
        %swap3A_120 = tpu.vector_load %arg7[%swap3A_117, %swap3A_118, %swap3A_119] {strides = array<i32>} : memref<2x64x600xf32, #tpu.memory_space<vmem>>, vector<16xf32>,
        tpu.vector_store %arg7[%swap3A_117, %swap3A_118, %swap3A_119], %get3A_116 {strides = array<i32>} : memref<2x64x600xf32, #tpu.memory_space<vmem>>, vector<16xf32>,
        %broadcast_in_dim3A = vector.broadcast %rem3A_36 : i32 to vector<16xi32>
        %broadcast_in_dim3A_121 = vector.broadcast %scan3A_82 : i32 to vector<16xi32>
        %get3A_122 = arith.index_cast %rem3A_36 : i32 to index
        %get3A_123 = arith.index_cast %scan3A_82 : i32 to index
        %get3A_124 = arith.constant 80 : index
        %get3A_125 = tpu.vector_load %arg8[%get3A_122, %get3A_123, %get3A_124] {strides = array<i32>} : memref<2x64x128xf32, #tpu.memory_space<vmem>>, vector<16xf32>,
        tpu.vector_store_idx %arg7[%broadcast_in_dim3A, %broadcast_in_dim3A_121, %min3A_75], %get3A_125 masked %lt3A_70 : memref<2x64x600xf32, #tpu.memory_space<vmem>>[vector<16xi32>, vector<16xi32>, vector<16xi32>], vector<16xf32>, vector<16xi1>
      }
      %scan3A_81 = arith.constant 64 : i32
      "tpu.region"() ({
        %run_scoped3A = tpu.sem_alloc : memref<!tpu.dma_semaphore, #tpu.memory_space<semaphore_mem>>
        %dma_start3A_82 = arith.constant 0 : i32
        %dma_start3A_83 = arith.constant 0 : i32
        %dma_start3A_84 = tpu.memref_slice %arg7[%rem3A_36, %dma_start3A_82, %dma_start3A_83] : memref<2x64x600xf32, #tpu.memory_space<vmem>> -> memref<1x64x600xf32, #tpu.memory_space<vmem>>
        %dma_start3A_85 = tpu.memref_squeeze %dma_start3A_84 : memref<1x64x600xf32, #tpu.memory_space<vmem>> -> memref<64x600xf32, #tpu.memory_space<vmem>>
        %dma_start3A_86 = arith.constant 0 : i32
        %dma_start3A_87 = arith.constant 0 : i32
        %dma_start3A_88 = tpu.memref_slice %arg5[%add3A, %scan3A_35, %dma_start3A_86, %dma_start3A_87] : memref<32x100x64x600xf32, #tpu.memory_space<hbm>> -> memref<1x1x64x600xf32, #tpu.memory_space<hbm>>
        %dma_start3A_89 = tpu.memref_squeeze %dma_start3A_88 : memref<1x1x64x600xf32, #tpu.memory_space<hbm>> -> memref<64x600xf32, #tpu.memory_space<hbm>>
        %dma_start3A_90 = arith.constant 0 : i32
        %dma_start3A_91 = arith.constant 0 : i32
        %dma_start3A_92 = tpu.memref_slice %arg5[%add3A, %scan3A_35, %dma_start3A_90, %dma_start3A_91] : memref<32x100x64x600xf32, #tpu.memory_space<hbm>> -> memref<1x1x64x600xf32, #tpu.memory_space<hbm>>
        %dma_start3A_93 = tpu.memref_squeeze %dma_start3A_92 : memref<1x1x64x600xf32, #tpu.memory_space<hbm>> -> memref<64x600xf32, #tpu.memory_space<hbm>>
        %dma_start3A_94 = arith.constant 0 : i32
        %dma_start3A_95 = arith.constant 0 : i32
        %dma_start3A_96 = tpu.memref_slice %arg7[%rem3A_36, %dma_start3A_94, %dma_start3A_95] : memref<2x64x600xf32, #tpu.memory_space<vmem>> -> memref<1x64x600xf32, #tpu.memory_space<vmem>>
        %dma_start3A_97 = tpu.memref_squeeze %dma_start3A_96 : memref<1x64x600xf32, #tpu.memory_space<vmem>> -> memref<64x600xf32, #tpu.memory_space<vmem>>
        tpu.enqueue_dma source(%dma_start3A_97 : memref<64x600xf32, #tpu.memory_space<vmem>>) target(%dma_start3A_93 : memref<64x600xf32, #tpu.memory_space<hbm>>) target_semaphore(%run_scoped3A : memref<!tpu.dma_semaphore, #tpu.memory_space<semaphore_mem>>)
        %dma_wait3A_98 = arith.constant 0 : i32
        %dma_wait3A_99 = arith.constant 0 : i32
        %dma_wait3A_100 = tpu.memref_slice %arg7[%rem3A_36, %dma_wait3A_98, %dma_wait3A_99] : memref<2x64x600xf32, #tpu.memory_space<vmem>> -> memref<1x64x600xf32, #tpu.memory_space<vmem>>
        %dma_wait3A_101 = tpu.memref_squeeze %dma_wait3A_100 : memref<1x64x600xf32, #tpu.memory_space<vmem>> -> memref<64x600xf32, #tpu.memory_space<vmem>>
        %dma_wait3A_102 = arith.constant 0 : i32
        %dma_wait3A_103 = arith.constant 0 : i32
        %dma_wait3A_104 = tpu.memref_slice %arg5[%add3A, %scan3A_35, %dma_wait3A_102, %dma_wait3A_103] : memref<32x100x64x600xf32, #tpu.memory_space<hbm>> -> memref<1x1x64x600xf32, #tpu.memory_space<hbm>>
        %dma_wait3A_105 = tpu.memref_squeeze %dma_wait3A_104 : memref<1x1x64x600xf32, #tpu.memory_space<hbm>> -> memref<64x600xf32, #tpu.memory_space<hbm>>
        %dma_wait3A_106 = arith.constant 0 : i32
        %dma_wait3A_107 = arith.constant 0 : i32
        %dma_wait3A_108 = tpu.memref_slice %arg5[%add3A, %scan3A_35, %dma_wait3A_106, %dma_wait3A_107] : memref<32x100x64x600xf32, #tpu.memory_space<hbm>> -> memref<1x1x64x600xf32, #tpu.memory_space<hbm>>
        %dma_wait3A_109 = tpu.memref_squeeze %dma_wait3A_108 : memref<1x1x64x600xf32, #tpu.memory_space<hbm>> -> memref<64x600xf32, #tpu.memory_space<hbm>>
        %dma_wait3A_110 = arith.constant 0 : i32
        %dma_wait3A_111 = arith.constant 0 : i32
        %dma_wait3A_112 = tpu.memref_slice %arg7[%rem3A_36, %dma_wait3A_110, %dma_wait3A_111] : memref<2x64x600xf32, #tpu.memory_space<vmem>> -> memref<1x64x600xf32, #tpu.memory_space<vmem>>
        %dma_wait3A_113 = tpu.memref_squeeze %dma_wait3A_112 : memref<1x64x600xf32, #tpu.memory_space<vmem>> -> memref<64x600xf32, #tpu.memory_space<vmem>>
        tpu.wait_dma2 semaphore(%run_scoped3A : memref<!tpu.dma_semaphore, #tpu.memory_space<semaphore_mem>>) src(%dma_wait3A_113 : memref<64x600xf32, #tpu.memory_space<vmem>>) dst(%dma_wait3A_109 : memref<64x600xf32, #tpu.memory_space<hbm>>)
        tpu.yield
      }) : () -> ()
    }
    %scan3A_34 = arith.constant 100 : i32
    return
  }
}

</mosaic_0001>

<sc_bundles>
// kernel: kernel.3.cloned.1.call-start
scs
__scs_entry_jumppad:
0x0: {  	(pc) =	sbr.rel $0x88, $3  }
0x1: {  	(tag) =	ssettag $0x0;
	lr =	simm.s32 $0x1  }
0x2: {  	[smem:$0x3F9F] =	sst lr;
	_ =	strace $0xD0000000  }
0x3: {  	_ = 	snop  }
0x4: {  	_ = 	snop  }
0x5: {  	_ = 	snop  }
0x6: {  	_ = 	snop  }
0x7: {  	_ = 	snop  }
__scs_overlays_trampoline_lowered:
0x8: {  	[smem:$0x3FAE] =	sst s0  }
0x9: {  	[smem:$0x3FAF] =	sst s1  }
0xa: {  	[smem:$0x3FB0] =	sst s2  }
0xb: {  	[smem:$0x3FB1] =	sst s3  }
0xc: {  	[smem:$0x3FB2] =	sst s4  }
0xd: {  	[smem:$0x3FB3] =	sst s5  }
0xe: {  	[smem:$0x3FB4] =	sst s6  }
0xf: {  	[smem:$0x3FB5] =	sst s7  }
0x10: {  	[smem:$0x3FB6] =	sst s8  }
0x11: {  	[smem:$0x3FB7] =	sst s9;
	s0 =	simm.s32 @!p0 $0x0  }
0x12: {  	s1 =	sld [smem:$0x3F9D];
	s0 =	simm.s32 @p0 $0x1  }
0x13: {  	[smem:$0x3FB8] =	sst s0;
	s0 =	simm.s32 @!p1 $0x0  }
0x14: {  	s2 =	sld [smem:$0x3F9C];
	s0 =	simm.s32 @p1 $0x1  }
0x15: {  	[smem:$0x3FB9] =	sst s0;
	s0 =	simm.s32 @!p2 $0x0  }
0x16: {  	s3 =	sld [smem:$0x3FDB];
	s0 =	simm.s32 @p2 $0x1  }
0x17: {  	s4 =	simm.s32 $0x1BF5;
	[smem:$0x3FBB] =	sst s0  }
0x18: {  	s0 =	sld [smem:$0x3F9E];
	_ =	swait.ge [sflag:s4], $0x0  }
0x19: {  	s7 =	sld [smem:$0x3F9F]  }
0x1a: {  	s8 =	sadd.s32 $0xFFFFE003, lr  }
0x1b: {  	s9 =	sadd.s32 $0xFFFFFEF7, lr;
	s5 =	simm.s32 $0xFFFFFFFF;
	p2 =	slt.u32 s8, $0xFFFFF086  }
0x1c: {  	p1 =	slt.u32 s9, $0xF7A;
	s5 =	simm.s32 @!p2 $0x0  }
0x1d: {  	s5 =	simm.s32 @p1 $0x1;
	p0 =	seq.s32 s7, s2  }
0x1e: {  	s7 =	smul.u32 @!p0 $0xF7A, s2;
	p2 =	seq.s32 @!p0 s5, $0x0  }
0x1f: {  	s9 =	smul.u32 $0xF7A, s1;
	s8 =	simm.s32 @!p0 $0x1BF5;
	p2 =	por !p2, p0  }
0x20: {  	[sflag:s8] =	ssyncset.s32 @!p0 $0xFFFFF086;
	s6 =	sadd.s32 @!p0 s3, s7;
	s7 =	simm.s32 @!p0 $0x108  }
0x21: {  	s3 =	sadd.s32 s3, s9;
	s6 =	sadd.s32 @!p0 $0x88, s6;
	s7 =	simm.s32 @p2 $0x1082  }
0x22: {  	[simem:s7], [sflag:s8] =	dma.local @!p0 [hbm:s6], $0xF7A  }
0x23: {  	s9 =	sor.u32 $0xD0000000, s2;
	s6 =	simm.s32 $0x108;
	_ =	swait.ge @!p0 [sflag:s8], $0x0  }
0x24: {  	s3 =	sadd.s32 $0x88, s3;
	s6 =	simm.s32 @!p1 $0x1082;
	[sflag:s4] =	ssyncset.s32 $0xFFFFF086  }
0x25: {  	[simem:s6], [sflag:s4] =	dma.local [hbm:s3], $0xF7A  }
0x26: {  	[smem:$0x3F9F] =	sst s1;
	(tag) =	ssettag s2;
	_ =	strace s9  }
0x27: {  	s1 =	sld [smem:$0x3FAF]  }
0x28: {  	s2 =	sld [smem:$0x3FB0]  }
0x29: {  	s4 =	sld [smem:$0x3FB2]  }
0x2a: {  	p0 =	seq.s32 s5, $0x0;
	s5 =	sld [smem:$0x3FB3]  }
0x2b: {  	s6 =	sld [smem:$0x3FB4]  }
0x2c: {  	s7 =	sld [smem:$0x3FB5]  }
0x2d: {  	s3 =	simm.s32 $0x108;
	s8 =	sld [smem:$0x3FB6]  }
0x2e: {  	s3 =	simm.s32 @!p0 $0x1082;
	s9 =	sld [smem:$0x3FB7]  }
0x2f: {  	lr =	sadd.s32 s0, s3;
	s0 =	sld [smem:$0x3FAE]  }
0x30: {  	s3 =	sld [smem:$0x3FB1]  }
0x31: {  	[smem:$0x3FBA] =	sst s10  }
0x32: {  	s10 =	sld [smem:$0x3FB8];
	_ =	sdelay $0x3  }
0x33: {  	p0 =	seq.s32 s10, $0x1;
	s10 =	sld [smem:$0x3FBA];
	_ =	sdelay $0x3  }
0x34: {  	[smem:$0x3FBA] =	sst s10  }
0x35: {  	s10 =	sld [smem:$0x3FB9];
	_ =	sdelay $0x3  }
0x36: {  	p1 =	seq.s32 s10, $0x1;
	s10 =	sld [smem:$0x3FBA];
	_ =	sdelay $0x3  }
0x37: {  	[smem:$0x3FBA] =	sst s10  }
0x38: {  	s10 =	sld [smem:$0x3FBB]  }
0x39: {  	_ = 	snop;
	(pc) =	sbr.ind lr, $3  }
0x3a: {  	_ = 	snop  }
0x3b: {  	_ = 	snop  }
0x3c: {  	p2 =	seq.s32 s10, $0x1;
	s10 =	sld [smem:$0x3FBA]  }
0x3d: {  	_ =	shalt  }
0x3e: {  	_ =	shalt  }
0x3f: {  	_ =	shalt  }
0x40: {  	_ =	shalt  }
0x41: {  	_ =	shalt  }
0x42: {  	_ =	shalt  }
0x43: {  	_ =	shalt  }
0x44: {  	_ =	shalt  }
0x45: {  	_ =	shalt  }
0x46: {  	_ =	shalt  }
0x47: {  	_ =	shalt  }
0x48: {  	_ =	shalt  }
0x49: {  	_ =	shalt  }
0x4a: {  	_ =	shalt  }
0x4b: {  	_ =	shalt  }
0x4c: {  	_ =	shalt  }
0x4d: {  	_ =	shalt  }
0x4e: {  	_ =	shalt  }
0x4f: {  	_ =	shalt  }
0x50: {  	_ =	shalt  }
0x51: {  	_ =	shalt  }
0x52: {  	_ =	shalt  }
0x53: {  	_ =	shalt  }
0x54: {  	_ =	shalt  }
0x55: {  	_ =	shalt  }
0x56: {  	_ =	shalt  }
0x57: {  	_ =	shalt  }
0x58: {  	_ =	shalt  }
0x59: {  	_ =	shalt  }
0x5a: {  	_ =	shalt  }
0x5b: {  	_ =	shalt  }
0x5c: {  	_ =	shalt  }
0x5d: {  	_ =	shalt  }
0x5e: {  	_ =	shalt  }
0x5f: {  	_ =	shalt  }
0x60: {  	_ =	shalt  }
0x61: {  	_ =	shalt  }
0x62: {  	_ =	shalt  }
0x63: {  	_ =	shalt  }
0x64: {  	_ =	shalt  }
0x65: {  	_ =	shalt  }
0x66: {  	_ =	shalt  }
0x67: {  	_ =	shalt  }
0x68: {  	_ =	shalt  }
0x69: {  	_ =	shalt  }
0x6a: {  	_ =	shalt  }
0x6b: {  	_ =	shalt  }
0x6c: {  	_ =	shalt  }
0x6d: {  	_ =	shalt  }
0x6e: {  	_ =	shalt  }
0x6f: {  	_ =	shalt  }
0x70: {  	_ =	shalt  }
0x71: {  	_ =	shalt  }
0x72: {  	_ =	shalt  }
0x73: {  	_ =	shalt  }
0x74: {  	_ =	shalt  }
0x75: {  	_ =	shalt  }
0x76: {  	_ =	shalt  }
0x77: {  	_ =	shalt  }
0x78: {  	_ =	shalt  }
0x79: {  	_ =	shalt  }
0x7a: {  	_ =	shalt  }
0x7b: {  	_ =	shalt  }
0x7c: {  	_ =	shalt  }
0x7d: {  	_ =	shalt  }
0x7e: {  	_ =	shalt  }
0x7f: {  	_ =	shalt  }
0x80: {  	_ =	shalt  }
0x81: {  	_ =	shalt  }
0x82: {  	_ =	shalt  }
0x83: {  	_ =	shalt  }
0x84: {  	_ =	shalt  }
0x85: {  	_ =	shalt  }
0x86: {  	_ =	shalt  }
0x87: {  	_ =	shalt  }
.Lfunc_end0:
.L_simem_size_0:
called_computation.1_lowered:
.L_overlay_start_0:
0x88: {  	s2 =	sld [smem:$0x3FD9]  }
0x89: {  	s3 =	sld [smem:$0x3FFE];
	_ =	sdelay $0x1  }
0x8a: {  	s1 =	srdreg.scid  }
0x8b: {  	s0 =	sand.u32 $0x1, s1  }
0x8c: {  	s17 =	sshll.u32 s0, $0xA;
	s2 =	sadd.s32 s3, s2  }
0x8d: {  	s2 =	sadd.s32 s2, s17  }
0x8e: {  	[smem:$0x3FC6] =	sst s2  }
0x8f: {  	_ = 	snop  }
0x90: {  	s2 =	sld [smem:$0x3FD0];
	(tm) =	ssettm $0x1  }
0x91: {  	s18 =	sld [smem:$0x3FFB];
	_ =	sdelay $0x3  }
0x92: {  	_ =	strace s18  }
0x93: {  	s3 =	sld [smem:$0x3FFC];
	_ =	sdelay $0x3  }
0x94: {  	_ =	strace s3  }
0x95: {  	s3 =	sld [smem:$0x3FFD];
	_ =	sdelay $0x3  }
0x96: {  	_ =	strace s3  }
0x97: {  	_ =	strace $0x8FFFFFFF  }
0x98: {  	s19 =	sld [smem:$0x3FDB];
	_ =	sdelay $0x1  }
0x99: {  	s4 =	simm.s32 $_scs_section_size  }
0x9a: {  	s5 =	simm.s32 $_size__tile_overlayer_lowered;
	s6 =	simm.s32 $_tile_overlayer_lowered  }
0x9b: {  	s22 =	simm.s32 $0x1BFF;
	s21 =	sshll.u32 s6, $0x1;
	s3 =	sadd.s32 s4, s19  }
0x9c: {  	s7 =	simm.s32 $0x0;
	s20 =	sshll.u32 s5, $0x1;
	s5 =	sadd.s32 s21, s3  }
0x9d: {  	[timem:s7], [sflag:s22] =	dma.local [hbm:s5], s20  }
0x9e: {  	_ =	swait.ge [sflag:s22], s20  }
0x9f: {  	s4 =	ssub.s32 $0x0, s20;
	[sflag:s22] =	ssyncset.done $0x0  }
0xa0: {  	[sflag:s22] =	ssyncadd.s32 s4;
	_ =	sdelay $0x1  }
0xa1: {  	s23 =	simm.s32 $0x1B8B  }
0xa2: {  	_ =	swait.ge [sflag:s23], $0x1  }
0xa3: {  	[sflag:s23] =	ssyncset.done $0x0  }
0xa4: {  	s25 =	simm.s32 $0x1B8E;
	s24 =	sld [smem:$0x3FFE];
	[sflag:s23] =	ssyncadd.s32 $0xFFFFFFFF  }
0xa5: {  	s26 =	simm.s32 $execute0_lowered;
	[smem:$0x3FD2] =	sst s25  }
0xa6: {  	s5 =	sshll.u32 s26, $0x1;
	_ =	strace $0x80000046;
	[dreg:$0x1] =	wrdreg $0xFFFFFFFF  }
0xa7: {  	s28 =	simm.s32 $_size_execute0_lowered;
	s3 =	sadd.s32 s3, s5;
	[dreg:$0x0] =	wrdreg $0x0  }
0xa8: {  	s5 =	sshll.u32 s28, $0x1;
	[dreg:$0x2] =	wrdreg s3  }
0xa9: {  	[dreg:$0x3] =	wrdreg s5  }
0xaa: {  	[dreg:$0x4] =	wrdreg $0xC0  }
0xab: {  	_ =	task [dreg:s7], $0x5FFFF  }
0xac: {  	[dreg:$0x1] =	wrdreg $0xFFFFFFFF  }
0xad: {  	[dreg:$0x0] =	wrdreg $0x60  }
0xae: {  	[dreg:$0x2] =	wrdreg s24  }
0xaf: {  	[dreg:$0x3] =	wrdreg s2  }
0xb0: {  	[dreg:$0x4] =	wrdreg $0x9  }
0xb1: {  	_ =	task.clear_ibuf [dreg:s7], $0x5FFFF;
	_ =	strace $0x90000046  }
0xb2: {  	s29 =	simm.s32 $0x9;
	_ =	strace $0x80000048  }
0xb3: {  	_ =	swait.ge [sflag:s29], $0x1  }
0xb4: {  	[sflag:s29] =	ssyncadd.s32 $0xFFFFFFFF  }
0xb5: {  	_ =	strace $0x90000048  }
0xb6: {  	_ =	sfence  }
0xb7: {  	s30 =	sld [smem:$0x0];
	_ =	sdelay $0x2  }
0xb8: {  	s31 =	sshll.u32 s1, $0xD;
	s1 =	sshrl.u32 s1, $0x2  }
0xb9: {  	s3 =	sand.u32 $0x4000, s31;
	s1 =	sadd.s32 s1, s30  }
0xba: {  	s0 =	sor.u32 s3, s0;
	s1 =	sshll.u32 s1, $0x11  }
0xbb: {  	s0 =	sor.u32 s1, s0  }
0xbc: {  	s0 =	sadd.s32 $0x8F2B, s0  }
0xbd: {  	[sflag:s0] =	ssyncadd.remote.s32 $0x1  }
0xbe: {  	_ =	sfence.sel $0xFFFF  }
0xbf: {  	[dreg:$0x0] =	wrdreg $0xFFFFFFFF;
	(pc) =	sbr.abs _section_cstart, $3  }
0xc0: {  	[dreg:$0x1] =	wrdreg $0xFFFFFFFF  }
0xc1: {  	_ =	task.clear_ibuf [dreg:s7], $0x2FFFF;
	_ =	strace $0x9FFFFFFF  }
0xc2: {  	(tm) =	ssettm $0x7FFFFFFF  }
0xc3: {  	_ =	shalt  }
tec
execute0_lowered:
.L_overlay_start_1:
0x0: {  	(tag) =	ssettag $0x1  }
0x1: {  	s0 =	srdreg.scid;
	s2 =	stileid.u32  }
0x2: {  	s1 =	rddreg [dreg:$0x0];
	s10 =	simm.s32 $0x5;
	s11 =	simm.s32 $0x3400  }
0x3: {  	s18 =	simm.s32 $0x7800;
	s19 =	simm.s32 $0x8400;
	s20 =	simm.s32 $0x8C00  }
0x4: {  	s21 =	simm.s32 $0x9800;
	s22 =	simm.s32 $0xA000;
	s23 =	simm.s32 $0xAC00  }
0x5: {  	v0 =	vimm.s32 $0x1057;
	vm0 =	vcmask $0x300;
	s24 =	simm.s32 $0xB400;
	s25 =	simm.s32 $0xC000;
	s26 =	simm.s32 $0xC800  }
0x6: {  	s28 =	simm.s32 $0x40;
	s29 =	simm.s32 $0x17400;
	s30 =	simm.s32 $0x0;
	v0 =	vsel vm0, $0x1050, v0;
	vm0 =	vcmask $0x704  }
0x7: {  	s0 =	sand.u32 $0x1, s0;
	s3 =	sshll.u32 s2, $0x1;
	s2 =	rddreg [dreg:$0x1];
	v0 =	vsel vm0, $0x1051, v0;
	vm0 =	vcmask $0xB08  }
0x8: {  	v2 =	vlaneseq.u32;
	s5 =	sadd.s32 $0x31AC00, s1;
	s8 =	sor.u32 s0, s3;
	s3 =	simm.s32 $0x0;
	v1 =	vsel vm0, $0x1052, v0;
	vm0 =	vcmask $0xF0C  }
0x9: {  	vm1 =	vcmask $0x1B18;
	s0 =	ssub.s32 $0x2, s0;
	s4 =	smul.u32 $0x680, s8;
	[smem:$0x7FF] =	sst s3;
	v1 =	vsel vm0, $0x1053, v1;
	vm0 =	vcmask $0x1310  }
0xa: {  	v3 =	vshrl.u32 v2, $0x3;
	s7 =	sshrl.u32 s0, $0x1;
	s8 =	smul.u32 $0x3E8000, s8;
	_ =	strace $0x80000047;
	v4 =	vsel vm0, $0x1054, v1;
	vm0 =	vcmask $0x1714  }
0xb: {  	v0 =	vand.u32 $0x7, v2;
	s0 =	ssub.s32 s0, s7;
	s7 =	sadd.s32 $0x100, s2;
	s6 =	sadd.s32 s4, s1;
	v1 =	vmul.u32 $0x8, v3;
	v3 =	vsel vm0, $0x1055, v4  }
0xc: {  	v2 =	vor.u32 $0x8, v2;
	s4 =	sadd.s32 $0x194200, s1;
	s9 =	smax.u32 s0, $0x1;
	s6 =	sadd.s32 $0x800, s6;
	vm0 =	vmmov $0xffff;
	v3 =	vsel vm1, $0x1056, v3  }
.LBB2_1:
0xd: {  	[tilespmem:s3], [sflag:$0x5] =	stream.linear.gather [hbm4b:s6+s3], $0x3200, $0x38;
	[tilespmem:$0x1B400] =	vst v63  }
0xe: {  	_ =	swait.ge [sflag:s10], $0x3200  }
0xf: {  	[sflag:s10] =	ssyncset.done $0x0  }
0x10: {  	[sflag:s10] =	ssyncadd.s32 $0xFFFFCE00  }
0x11: {  	v4 =	vld [tilespmem:$0x0];
	_ =	sdelay $0x4  }
0x12: {  	v5 =	vshrl.u32 v4, $0x3  }
0x13: {  	v5 =	vmul.u32 $0x28, v5  }
0x14: {  	v4 =	vand.u32 $0x7, v4  }
0x15: {  	v4 =	vor.u32 v4, v5  }
0x16: {  	v5 =	vperm.xlane v4, v0;
	_ =	sdelay $0x1  }
0x17: {  	v5 =	vadd.s32 v1, v5;
	_ =	sdelay $0x1  }
0x18: {  	v4 =	vperm.xlane v4, v2;
	_ =	sdelay $0x1  }
0x19: {  	v4 =	vadd.s32 v1, v4  }
0x1a: {  	[tilespmem:s11], [sflag:$0x1] =	stream.indirect_vreg.gather [hbm4b:s2+s3], $0x80, v5, vm0, $0xb8;
	[tilespmem:$0x1B400] =	vst v63  }
0x1b: {  	s0 =	simm.s32 $0x3C00  }
0x1c: {  	[tilespmem:s0], [sflag:$0x1] =	stream.indirect_vreg.gather [hbm4b:s7+s3], $0x80, v5, vm0, $0xb8;
	[tilespmem:$0x1B400] =	vst v63  }
0x1d: {  	s13 =	simm.s32 $0x4800  }
0x1e: {  	[tilespmem:s13], [sflag:$0x1] =	stream.indirect_vreg.gather [hbm4b:s2+s3], $0x80, v4, vm0, $0xb8;
	[tilespmem:$0x1B400] =	vst v63  }
0x1f: {  	s14 =	simm.s32 $0x5000  }
0x20: {  	[tilespmem:s14], [sflag:$0x1] =	stream.indirect_vreg.gather [hbm4b:s7+s3], $0x80, v4, vm0, $0xb8;
	[tilespmem:$0x1B400] =	vst v63  }
0x21: {  	v4 =	vld [tilespmem:$0x10];
	_ =	sdelay $0x4  }
0x22: {  	v5 =	vshrl.u32 v4, $0x3  }
0x23: {  	v5 =	vmul.u32 $0x28, v5  }
0x24: {  	v4 =	vand.u32 $0x7, v4  }
0x25: {  	v4 =	vor.u32 v4, v5  }
0x26: {  	v5 =	vperm.xlane v4, v0;
	_ =	sdelay $0x1  }
0x27: {  	v5 =	vadd.s32 v1, v5;
	_ =	sdelay $0x1  }
0x28: {  	v4 =	vperm.xlane v4, v2;
	_ =	sdelay $0x1  }
0x29: {  	s15 =	simm.s32 $0x5C00;
	v4 =	vadd.s32 v1, v4  }
0x2a: {  	[tilespmem:s15], [sflag:$0x1] =	stream.indirect_vreg.gather [hbm4b:s2+s3], $0x80, v5, vm0, $0xb8;
	[tilespmem:$0x1B400] =	vst v63  }
0x2b: {  	s16 =	simm.s32 $0x6400  }
0x2c: {  	[tilespmem:s16], [sflag:$0x1] =	stream.indirect_vreg.gather [hbm4b:s7+s3], $0x80, v5, vm0, $0xb8;
	[tilespmem:$0x1B400] =	vst v63  }
0x2d: {  	s17 =	simm.s32 $0x7000  }
0x2e: {  	[tilespmem:s17], [sflag:$0x1] =	stream.indirect_vreg.gather [hbm4b:s2+s3], $0x80, v4, vm0, $0xb8;
	[tilespmem:$0x1B400] =	vst v63  }
0x2f: {  	_ = 	snop  }
0x30: {  	[tilespmem:s18], [sflag:$0x1] =	stream.indirect_vreg.gather [hbm4b:s7+s3], $0x80, v4, vm0, $0xb8;
	[tilespmem:$0x1B400] =	vst v63  }
0x31: {  	v4 =	vld [tilespmem:$0x20];
	_ =	sdelay $0x4  }
0x32: {  	v5 =	vshrl.u32 v4, $0x3  }
0x33: {  	v5 =	vmul.u32 $0x28, v5  }
0x34: {  	v4 =	vand.u32 $0x7, v4  }
0x35: {  	v4 =	vor.u32 v4, v5  }
0x36: {  	v5 =	vperm.xlane v4, v0;
	_ =	sdelay $0x1  }
0x37: {  	v5 =	vadd.s32 v1, v5;
	_ =	sdelay $0x1  }
0x38: {  	v4 =	vperm.xlane v4, v2;
	_ =	sdelay $0x1  }
0x39: {  	v4 =	vadd.s32 v1, v4  }
0x3a: {  	[tilespmem:s19], [sflag:$0x1] =	stream.indirect_vreg.gather [hbm4b:s2+s3], $0x80, v5, vm0, $0xb8;
	[tilespmem:$0x1B400] =	vst v63  }
0x3b: {  	_ = 	snop  }
0x3c: {  	[tilespmem:s20], [sflag:$0x1] =	stream.indirect_vreg.gather [hbm4b:s7+s3], $0x80, v5, vm0, $0xb8;
	[tilespmem:$0x1B400] =	vst v63  }
0x3d: {  	_ = 	snop  }
0x3e: {  	[tilespmem:s21], [sflag:$0x1] =	stream.indirect_vreg.gather [hbm4b:s2+s3], $0x80, v4, vm0, $0xb8;
	[tilespmem:$0x1B400] =	vst v63  }
0x3f: {  	_ = 	snop  }
0x40: {  	[tilespmem:s22], [sflag:$0x1] =	stream.indirect_vreg.gather [hbm4b:s7+s3], $0x80, v4, vm0, $0xb8;
	[tilespmem:$0x1B400] =	vst v63  }
0x41: {  	v4 =	vld [tilespmem:$0x30];
	_ =	sdelay $0x4  }
0x42: {  	v5 =	vshrl.u32 v4, $0x3  }
0x43: {  	v5 =	vmul.u32 $0x28, v5  }
0x44: {  	v4 =	vand.u32 $0x7, v4  }
0x45: {  	v4 =	vor.u32 v4, v5  }
0x46: {  	v5 =	vperm.xlane v4, v0;
	_ =	sdelay $0x1  }
0x47: {  	v5 =	vadd.s32 v1, v5;
	_ =	sdelay $0x1  }
0x48: {  	v4 =	vperm.xlane v4, v2;
	_ =	sdelay $0x1  }
0x49: {  	v4 =	vadd.s32 v1, v4  }
0x4a: {  	[tilespmem:s23], [sflag:$0x1] =	stream.indirect_vreg.gather [hbm4b:s2+s3], $0x80, v5, vm0, $0xb8;
	[tilespmem:$0x1B400] =	vst v63  }
0x4b: {  	_ = 	snop  }
0x4c: {  	[tilespmem:s24], [sflag:$0x1] =	stream.indirect_vreg.gather [hbm4b:s7+s3], $0x80, v5, vm0, $0xb8;
	[tilespmem:$0x1B400] =	vst v63  }
0x4d: {  	_ = 	snop  }
0x4e: {  	[tilespmem:s25], [sflag:$0x1] =	stream.indirect_vreg.gather [hbm4b:s2+s3], $0x80, v4, vm0, $0xb8;
	[tilespmem:$0x1B400] =	vst v63  }
0x4f: {  	_ = 	snop  }
0x50: {  	[tilespmem:s26], [sflag:$0x1] =	stream.indirect_vreg.gather [hbm4b:s7+s3], $0x80, v4, vm0, $0xb8;
	[tilespmem:$0x1B400] =	vst v63  }
0x51: {  	p0 =	por $0x0, $0x0;
	s31 =	simm.s32 $0x0  }
0x52: {  	[tilespmem:s29], [sflag:$0x3] =	stream.indirect.gather [hbm4b:s4+s28], $0x80, s3, s28, $0xb8;
	[tilespmem:$0x1B400] =	vst v63  }
.LBB2_2:
0x53: {  	p1 =	seq.s32 s31, $0x63  }
.Ltmp0:
0x54: {  	_ = 	snop;
	(pc) =	sbr.rel @p1 .LBB2_4-.Ltmp0, $2  }
0x55: {  	_ =	sdelay $0x2  }
0x56: {  	s1 =	sadd.s32 $0x1, s31  }
0x57: {  	s0 =	sshll.u32 s1, $0x7  }
0x58: {  	s0 =	sand.u32 $0x3FFFFF80, s0  }
0x59: {  	v4 =	vld [tilespmem:s0+$0x0];
	_ =	sdelay $0x4  }
0x5a: {  	v5 =	vshrl.u32 v4, $0x3  }
0x5b: {  	v5 =	vmul.u32 $0x28, v5  }
0x5c: {  	v4 =	vand.u32 $0x7, v4  }
0x5d: {  	v4 =	vor.u32 v4, v5  }
0x5e: {  	v5 =	vperm.xlane v4, v0;
	_ =	sdelay $0x1  }
0x5f: {  	s12 =	sand.u32 $0x1, s1;
	v5 =	vadd.s32 v1, v5  }
0x60: {  	s13 =	smul.u32 $0x28000, s12  }
0x61: {  	v4 =	vperm.xlane v4, v2  }
0x62: {  	s13 =	sshrl.u32 s13, $0x2  }
0x63: {  	s15 =	sadd.s32 $0x1, s12;
	s14 =	sadd.s32 $0x3400, s13;
	v4 =	vadd.s32 v1, v4  }
0x64: {  	[tilespmem:s14], [sflag:s15] =	stream.indirect_vreg.gather [hbm4b:s2+s3], $0x80, v5, vm0, $0xb8;
	[tilespmem:$0x1B400] =	vst v63  }
0x65: {  	s17 =	sadd.s32 $0x3C00, s13  }
0x66: {  	[tilespmem:s17], [sflag:s15] =	stream.indirect_vreg.gather [hbm4b:s7+s3], $0x80, v5, vm0, $0xb8;
	[tilespmem:$0x1B400] =	vst v63  }
0x67: {  	s16 =	sadd.s32 $0x4800, s13  }
0x68: {  	[tilespmem:s16], [sflag:s15] =	stream.indirect_vreg.gather [hbm4b:s2+s3], $0x80, v4, vm0, $0xb8;
	[tilespmem:$0x1B400] =	vst v63  }
0x69: {  	s17 =	sadd.s32 $0x5000, s13  }
0x6a: {  	[tilespmem:s17], [sflag:s15] =	stream.indirect_vreg.gather [hbm4b:s7+s3], $0x80, v4, vm0, $0xb8;
	[tilespmem:$0x1B400] =	vst v63  }
0x6b: {  	v4 =	vld [tilespmem:s0+$0x10];
	_ =	sdelay $0x4  }
0x6c: {  	v5 =	vshrl.u32 v4, $0x3  }
0x6d: {  	v5 =	vmul.u32 $0x28, v5  }
0x6e: {  	v4 =	vand.u32 $0x7, v4  }
0x6f: {  	v4 =	vor.u32 v4, v5  }
0x70: {  	v5 =	vperm.xlane v4, v0;
	_ =	sdelay $0x1  }
0x71: {  	v5 =	vadd.s32 v1, v5;
	_ =	sdelay $0x1  }
0x72: {  	v4 =	vperm.xlane v4, v2;
	_ =	sdelay $0x1  }
0x73: {  	s16 =	sadd.s32 $0x5C00, s13;
	v4 =	vadd.s32 v1, v4  }
0x74: {  	[tilespmem:s16], [sflag:s15] =	stream.indirect_vreg.gather [hbm4b:s2+s3], $0x80, v5, vm0, $0xb8;
	[tilespmem:$0x1B400] =	vst v63  }
0x75: {  	s17 =	sadd.s32 $0x6400, s13  }
0x76: {  	[tilespmem:s17], [sflag:s15] =	stream.indirect_vreg.gather [hbm4b:s7+s3], $0x80, v5, vm0, $0xb8;
	[tilespmem:$0x1B400] =	vst v63  }
0x77: {  	s16 =	sadd.s32 $0x7000, s13  }
0x78: {  	[tilespmem:s16], [sflag:s15] =	stream.indirect_vreg.gather [hbm4b:s2+s3], $0x80, v4, vm0, $0xb8;
	[tilespmem:$0x1B400] =	vst v63  }
0x79: {  	s17 =	sadd.s32 $0x7800, s13  }
0x7a: {  	[tilespmem:s17], [sflag:s15] =	stream.indirect_vreg.gather [hbm4b:s7+s3], $0x80, v4, vm0, $0xb8;
	[tilespmem:$0x1B400] =	vst v63  }
0x7b: {  	v4 =	vld [tilespmem:s0+$0x20];
	_ =	sdelay $0x4  }
0x7c: {  	v5 =	vshrl.u32 v4, $0x3  }
0x7d: {  	v5 =	vmul.u32 $0x28, v5  }
0x7e: {  	v4 =	vand.u32 $0x7, v4  }
0x7f: {  	v4 =	vor.u32 v4, v5  }
0x80: {  	v5 =	vperm.xlane v4, v0;
	_ =	sdelay $0x1  }
0x81: {  	v5 =	vadd.s32 v1, v5;
	_ =	sdelay $0x1  }
0x82: {  	v4 =	vperm.xlane v4, v2;
	_ =	sdelay $0x1  }
0x83: {  	s16 =	sadd.s32 $0x8400, s13;
	v4 =	vadd.s32 v1, v4  }
0x84: {  	[tilespmem:s16], [sflag:s15] =	stream.indirect_vreg.gather [hbm4b:s2+s3], $0x80, v5, vm0, $0xb8;
	[tilespmem:$0x1B400] =	vst v63  }
0x85: {  	s17 =	sadd.s32 $0x8C00, s13  }
0x86: {  	[tilespmem:s17], [sflag:s15] =	stream.indirect_vreg.gather [hbm4b:s7+s3], $0x80, v5, vm0, $0xb8;
	[tilespmem:$0x1B400] =	vst v63  }
0x87: {  	s16 =	sadd.s32 $0x9800, s13  }
0x88: {  	[tilespmem:s16], [sflag:s15] =	stream.indirect_vreg.gather [hbm4b:s2+s3], $0x80, v4, vm0, $0xb8;
	[tilespmem:$0x1B400] =	vst v63  }
0x89: {  	s17 =	sadd.s32 $0xA000, s13  }
0x8a: {  	[tilespmem:s17], [sflag:s15] =	stream.indirect_vreg.gather [hbm4b:s7+s3], $0x80, v4, vm0, $0xb8;
	[tilespmem:$0x1B400] =	vst v63  }
0x8b: {  	v4 =	vld [tilespmem:s0+$0x30];
	_ =	sdelay $0x4  }
0x8c: {  	v5 =	vshrl.u32 v4, $0x3  }
0x8d: {  	v5 =	vmul.u32 $0x28, v5  }
0x8e: {  	v4 =	vand.u32 $0x7, v4  }
0x8f: {  	v4 =	vor.u32 v4, v5  }
0x90: {  	v5 =	vperm.xlane v4, v0;
	_ =	sdelay $0x1  }
0x91: {  	v5 =	vadd.s32 v1, v5;
	_ =	sdelay $0x1  }
0x92: {  	v4 =	vperm.xlane v4, v2;
	_ =	sdelay $0x1  }
0x93: {  	s16 =	sadd.s32 $0xAC00, s13;
	v4 =	vadd.s32 v1, v4  }
0x94: {  	[tilespmem:s16], [sflag:s15] =	stream.indirect_vreg.gather [hbm4b:s2+s3], $0x80, v5, vm0, $0xb8;
	[tilespmem:$0x1B400] =	vst v63  }
0x95: {  	s17 =	sadd.s32 $0xB400, s13  }
0x96: {  	[tilespmem:s17], [sflag:s15] =	stream.indirect_vreg.gather [hbm4b:s7+s3], $0x80, v5, vm0, $0xb8;
	[tilespmem:$0x1B400] =	vst v63  }
0x97: {  	s16 =	sadd.s32 $0xC000, s13  }
0x98: {  	[tilespmem:s16], [sflag:s15] =	stream.indirect_vreg.gather [hbm4b:s2+s3], $0x80, v4, vm0, $0xb8;
	[tilespmem:$0x1B400] =	vst v63  }
0x99: {  	s13 =	sadd.s32 $0xC800, s13;
	s17 =	sshll.u32 s12, $0xD  }
0x9a: {  	[tilespmem:s13], [sflag:s15] =	stream.indirect_vreg.gather [hbm4b:s7+s3], $0x80, v4, vm0, $0xb8;
	[tilespmem:$0x1B400] =	vst v63  }
0x9b: {  	s12 =	sadd.s32 $0x3, s12;
	s13 =	sadd.s32 $0x17400, s17  }
0x9c: {  	[tilespmem:s13], [sflag:s12] =	stream.indirect.gather [hbm4b:s4+s28], $0x80, s0, s28, $0xb8;
	[tilespmem:$0x1B400] =	vst v63  }
.LBB2_4:
0x9d: {  	s13 =	sand.u32 $0x1, s31  }
0x9e: {  	s0 =	sadd.s32 $0x1, s13  }
0x9f: {  	_ =	swait.ge [sflag:s0], $0x8000  }
0xa0: {  	[sflag:s0] =	ssyncset.done $0x0  }
0xa1: {  	s12 =	simm.s32 $0x1;
	s14 =	sadd.s32 $0x3, s13;
	[sflag:s0] =	ssyncadd.s32 $0xFFFF8000  }
0xa2: {  	s12 =	simm.s32 @!p0 $0x0;
	_ =	swait.ge [sflag:s14], $0x2000  }
0xa3: {  	s16 =	simm.s32 $0x0;
	s12 =	sshll.u32 s12, $0xD;
	[sflag:s14] =	ssyncset.done $0x0  }
0xa4: {  	s15 =	smul.u32 $0x28000, s13;
	s17 =	sadd.s32 $0x17430, s12;
	[sflag:s14] =	ssyncadd.s32 $0xFFFFE000  }
0xa5: {  	s14 =	smul.u32 $0x5000, s16;
	v4 =	vld [tilespmem:s17+$0xFFFFFFD0]  }
0xa6: {  	s0 =	sshrl.u32 s15, $0x2  }
0xa7: {  	s12 =	simm.s32 $0x0;
	s0 =	sadd.s32 $0x3400, s0;
	s14 =	sshra.s32 s14, $0x2  }
0xa8: {  	s15 =	sand.u32 $0x380, s12;
	s14 =	sadd.s32 s14, s0  }
0xa9: {  	s14 =	sadd.s32 s15, s14  }
0xaa: {  	[tilespmem:s14+$0x1000] =	vst v4  }
0xab: {  	v4 =	vld [tilespmem:s17+$0xFFFFFFE0];
	_ =	sdelay $0x4  }
0xac: {  	[tilespmem:s14+$0x1010] =	vst v4  }
0xad: {  	v4 =	vld [tilespmem:s17+$0xFFFFFFF0];
	_ =	sdelay $0x4  }
0xae: {  	[tilespmem:s14+$0x1020] =	vst v4  }
0xaf: {  	v4 =	vld [tilespmem:s17+$0x0];
	_ =	sdelay $0x4  }
0xb0: {  	v5 =	vmov s13;
	[tilespmem:s14+$0x1030] =	vst v4  }
0xb1: {  	v4 =	vmul.u32 $0xA000, v5;
	v5 =	vld [tilespmem:s17+$0x10]  }
0xb2: {  	v6 =	vmov s12  }
0xb3: {  	v7 =	vshrl.u32 v6, $0x3;
	v4 =	vbroadcast v4, $0x0  }
0xb4: {  	v7 =	vmul.u32 $0x1400, v7  }
0xb5: {  	v6 =	vshll.u32 v6, $0x7;
	v4 =	vor.u32 v3, v4  }
0xb6: {  	[tilespmem:s14+$0x1040] =	vst v5;
	v5 =	vand.u32 $0x380, v6;
	v6 =	vadd.s32 v7, v4  }
0xb7: {  	v7 =	vld [tilespmem:s17+$0x20];
	v5 =	vor.u32 v5, v6;
	_ =	sdelay $0x3  }
0xb8: {  	s13 =	sadd.s32 $0x80, s17  }
0xb9: {  	s16 =	simm.s32 $0x0;
	s15 =	simm.s32 $0x2;
	s14 =	simm.s32 $0x1;
	[tilespmem:v5+s11+$0x0] =	vst.idx.msk $0xff, v7  }
.LBB2_5:
0xba: {  	p1 =	sne.s32 s15, $0x3F;
	v5 =	vld [tilespmem:s13+$0xFFFFFFD0];
	s16 =	smul.u32 $0x5000, s16;
	_ =	sdelay $0x1  }
0xbb: {  	s12 =	sadd.s32 $0x80, s12;
	s16 =	sshra.s32 s16, $0x2  }
0xbc: {  	s17 =	sand.u32 $0x380, s12;
	s16 =	sadd.s32 s16, s0  }
0xbd: {  	s16 =	sadd.s32 s17, s16  }
0xbe: {  	[tilespmem:s16+$0x1000] =	vst v5  }
0xbf: {  	v5 =	vld [tilespmem:s13+$0xFFFFFFE0];
	_ =	sdelay $0x4  }
0xc0: {  	[tilespmem:s16+$0x1010] =	vst v5  }
0xc1: {  	v5 =	vld [tilespmem:s13+$0xFFFFFFF0];
	_ =	sdelay $0x4  }
0xc2: {  	[tilespmem:s16+$0x1020] =	vst v5  }
0xc3: {  	v5 =	vld [tilespmem:s13+$0x0];
	_ =	sdelay $0x4  }
0xc4: {  	[tilespmem:s16+$0x1030] =	vst v5  }
0xc5: {  	v5 =	vld [tilespmem:s13+$0x10]  }
0xc6: {  	v6 =	vmov s14;
	s14 =	smov.u32 s15  }
0xc7: {  	v7 =	vshrl.u32 v6, $0x3  }
0xc8: {  	v7 =	vmul.u32 $0x1400, v7  }
0xc9: {  	v6 =	vshll.u32 v6, $0x7  }
0xca: {  	[tilespmem:s16+$0x1040] =	vst v5;
	v5 =	vand.u32 $0x380, v6;
	v6 =	vadd.s32 v7, v4  }
0xcb: {  	v7 =	vld [tilespmem:s13+$0x20];
	v5 =	vor.u32 v5, v6  }
.Ltmp1:
0xcc: {  	(pc) =	sbr.rel @p1 .LBB2_5-.Ltmp1, $2  }
0xcd: {  	_ =	sdelay $0x2  }
0xce: {  	s15 =	sadd.s32 $0x1, s15;
	s16 =	sshrl.u32 s14, $0x3;
	s13 =	sadd.s32 $0x80, s13;
	[tilespmem:v5+s11+$0x0] =	vst.idx.msk $0xff, v7  }
0xcf: {  	v5 =	vld [tilespmem:s13+$0xFFFFFFD0];
	s15 =	smul.u32 $0x5000, s16;
	_ =	sdelay $0x1  }
0xd0: {  	s12 =	sadd.s32 $0x80, s12;
	s15 =	sshra.s32 s15, $0x2  }
0xd1: {  	s12 =	sand.u32 $0x380, s12;
	s15 =	sadd.s32 s15, s0  }
0xd2: {  	s12 =	sadd.s32 s12, s15  }
0xd3: {  	[tilespmem:s12+$0x1000] =	vst v5  }
0xd4: {  	v5 =	vld [tilespmem:s13+$0xFFFFFFE0];
	_ =	sdelay $0x4  }
0xd5: {  	[tilespmem:s12+$0x1010] =	vst v5  }
0xd6: {  	v5 =	vld [tilespmem:s13+$0xFFFFFFF0];
	_ =	sdelay $0x4  }
0xd7: {  	[tilespmem:s12+$0x1020] =	vst v5  }
0xd8: {  	v5 =	vld [tilespmem:s13+$0x0];
	_ =	sdelay $0x4  }
0xd9: {  	[tilespmem:s12+$0x1030] =	vst v5  }
0xda: {  	v5 =	vld [tilespmem:s13+$0x10]  }
0xdb: {  	v6 =	vmov s14  }
0xdc: {  	v7 =	vshrl.u32 v6, $0x3  }
0xdd: {  	v7 =	vmul.u32 $0x1400, v7  }
0xde: {  	v6 =	vshll.u32 v6, $0x7  }
0xdf: {  	v4 =	vadd.s32 v7, v4;
	[tilespmem:s12+$0x1040] =	vst v5;
	v5 =	vand.u32 $0x380, v6  }
0xe0: {  	v63 =	vld [tilespmem:s13+$0x20];
	v4 =	vor.u32 v5, v4  }
0xe1: {  	s17 =	smul.u32 $0xA000, s31;
	_ =	sdelay $0x1  }
0xe2: {  	s12 =	sadd.s32 s8, s17  }
0xe3: {  	p1 =	sne.s32 s1, $0x64;
	s12 =	sshrl.u32 s12, $0x3  }
.Ltmp2:
0xe4: {  	s12 =	sadd.s32 s5, s12;
	[tilespmem:v4+s11+$0x0] =	vst.idx.msk $0xff, v63;
	(pc) =	sbr.rel @p1 .LBB2_2-.Ltmp2, $4  }
0xe5: {  	[hbm4b:s12+s3] =	stream.linear.scatter [tilespmem:s0], [sflag:$0x5], $0xA000, $0x38;
	[tilespmem:$0x1B400] =	vst v63  }
0xe6: {  	_ =	swait.ge [sflag:s10], $0xA000  }
0xe7: {  	[sflag:s10] =	ssyncset.done $0x0  }
0xe8: {  	p0 =	por !p0, !p0;
	s31 =	smov.u32 s1;
	[sflag:s10] =	ssyncadd.s32 $0xFFFF6000  }
0xe9: {  	s30 =	sadd.s32 $0x1, s30  }
0xea: {  	p0 =	sne.s32 s30, s9  }
.Ltmp3:
0xeb: {  	_ = 	snop;
	(pc) =	sbr.rel @p0 .LBB2_1-.Ltmp3, $1  }
0xec: {  	_ =	sdelay $0x3  }
0xed: {  	_ =	sfence.sel $0x180000  }
0xee: {  	[bflag:$0x0] =	sbarrier.arrive $0xFFFF  }
0xef: {  	_ =	strace $0x90000047  }
0xf0: {  	s0 =	stileid.u32;
	[bflag:$0x2] =	sbarrier.arrive $0xFFFF  }
0xf1: {  	p0 =	sne.s32 s0, $0x0;
	s0 =	rddreg [dreg:$0x2]  }
0xf2: {  	s0 =	sadd.s32 @!p0 $0x100000, s0  }
0xf3: {  	[sflag:s0] =	ssyncadd.tile.s32 @!p0 $0x1;
	_ =	shalt  }
.Lfunc_end2:
_tile_overlayer_lowered:
.L_overlay_start_2:
0xf4: {  	(tag) =	ssettag $0x2  }
0xf5: {  	s0 =	rddreg [dreg:$0x0];
	s2 =	stileid.u32  }
0xf6: {  	s1 =	rddreg [dreg:$0x1];
	p0 =	sne.s32 s2, $0x0  }
0xf7: {  	s3 =	rddreg [dreg:$0x2];
	[bflag:$0x3] =	sbarrier.arrive $0xFFFF;
	s2 =	simm.s32 @!p0 $0x1C05  }
0xf8: {  	[timem:s3], [sflag:s2] =	dma.local @!p0 [hbm:s0], s1  }
0xf9: {  	s0 =	simm.s32 @!p0 $0x5  }
0xfa: {  	_ =	swait.ge @!p0 [sflag:s0], s1  }
0xfb: {  	s1 =	ssub.s32 @!p0 $0x0, s1;
	[sflag:s0] =	ssyncset.done @!p0 $0x0  }
0xfc: {  	[sflag:s0] =	ssyncadd.s32 @!p0 s1  }
0xfd: {  	[bflag:$0x3] =	sbarrier.arrive $0xFFFF  }
0xfe: {  	_ =	shalt  }

// kernel: sparse-core-data-format-call.cloned.1.call-start
scs
called_computation_lowered:
.L_overlay_start_0:
0x0: {  	s2 =	sld [smem:$0x3FD9]  }
0x1: {  	s3 =	sld [smem:$0x3FFE];
	_ =	sdelay $0x1  }
0x2: {  	s1 =	srdreg.scid  }
0x3: {  	s0 =	sand.u32 $0x1, s1  }
0x4: {  	s18 =	sshll.u32 s0, $0xA;
	s2 =	sadd.s32 s3, s2  }
0x5: {  	s2 =	sadd.s32 s2, s18  }
0x6: {  	[smem:$0x3FC6] =	sst s2  }
0x7: {  	_ = 	snop  }
0x8: {  	s2 =	sld [smem:$0x3FD0];
	(tm) =	ssettm $0x1  }
0x9: {  	s19 =	sld [smem:$0x3FFB];
	_ =	sdelay $0x3  }
0xa: {  	_ =	strace s19  }
0xb: {  	s3 =	sld [smem:$0x3FFC];
	_ =	sdelay $0x3  }
0xc: {  	_ =	strace s3  }
0xd: {  	s3 =	sld [smem:$0x3FFD];
	_ =	sdelay $0x3  }
0xe: {  	_ =	strace s3  }
0xf: {  	_ =	strace $0x8FFFFFFF  }
0x10: {  	s20 =	sld [smem:$0x3FDB];
	_ =	sdelay $0x1  }
0x11: {  	s4 =	simm.s32 $_scs_section_size  }
0x12: {  	s5 =	simm.s32 $_size__tile_overlayer_lowered;
	s6 =	simm.s32 $_tile_overlayer_lowered  }
0x13: {  	s23 =	simm.s32 $0x1BFF;
	s22 =	sshll.u32 s6, $0x1;
	s3 =	sadd.s32 s4, s20  }
0x14: {  	s7 =	simm.s32 $0x0;
	s21 =	sshll.u32 s5, $0x1;
	s5 =	sadd.s32 s22, s3  }
0x15: {  	[timem:s7], [sflag:s23] =	dma.local [hbm:s5], s21  }
0x16: {  	_ =	swait.ge [sflag:s23], s21  }
0x17: {  	s4 =	ssub.s32 $0x0, s21;
	[sflag:s23] =	ssyncset.done $0x0  }
0x18: {  	[sflag:s23] =	ssyncadd.s32 s4;
	_ =	sdelay $0x1  }
0x19: {  	s24 =	simm.s32 $0x1B8B  }
0x1a: {  	_ =	swait.ge [sflag:s24], $0x1  }
0x1b: {  	[sflag:s24] =	ssyncset.done $0x0  }
0x1c: {  	s26 =	simm.s32 $0x1B8E;
	s25 =	sld [smem:$0x3FFE];
	[sflag:s24] =	ssyncadd.s32 $0xFFFFFFFF  }
0x1d: {  	s27 =	simm.s32 $execute0_lowered;
	[smem:$0x3FD2] =	sst s26  }
0x1e: {  	s5 =	sshll.u32 s27, $0x1;
	_ =	strace $0x80000049;
	[dreg:$0x1] =	wrdreg $0xFFFFFFFF  }
0x1f: {  	s28 =	simm.s32 $_size_execute0_lowered;
	s3 =	sadd.s32 s3, s5;
	[dreg:$0x0] =	wrdreg $0x0  }
0x20: {  	s5 =	sshll.u32 s28, $0x1;
	[dreg:$0x2] =	wrdreg s3  }
0x21: {  	[dreg:$0x3] =	wrdreg s5  }
0x22: {  	[dreg:$0x4] =	wrdreg $0xC0  }
0x23: {  	_ =	task [dreg:s7], $0x5FFFF  }
0x24: {  	[dreg:$0x1] =	wrdreg $0xFFFFFFFF  }
0x25: {  	[dreg:$0x0] =	wrdreg $0x60  }
0x26: {  	[dreg:$0x2] =	wrdreg s25  }
0x27: {  	[dreg:$0x3] =	wrdreg s2  }
0x28: {  	[dreg:$0x4] =	wrdreg $0x9  }
0x29: {  	_ =	task.clear_ibuf [dreg:s7], $0x5FFFF;
	_ =	strace $0x90000049  }
0x2a: {  	s29 =	simm.s32 $0x9;
	_ =	strace $0x8000004B  }
0x2b: {  	_ =	swait.ge [sflag:s29], $0x1  }
0x2c: {  	[sflag:s29] =	ssyncadd.s32 $0xFFFFFFFF  }
0x2d: {  	_ =	strace $0x9000004B  }
0x2e: {  	_ =	sfence  }
0x2f: {  	s30 =	sld [smem:$0x0];
	_ =	sdelay $0x2  }
0x30: {  	s31 =	sshll.u32 s1, $0xD;
	s1 =	sshrl.u32 s1, $0x2  }
0x31: {  	s3 =	sand.u32 $0x4000, s31;
	s1 =	sadd.s32 s1, s30  }
0x32: {  	s0 =	sor.u32 s3, s0;
	s1 =	sshll.u32 s1, $0x11  }
0x33: {  	s0 =	sor.u32 s1, s0  }
0x34: {  	s0 =	sadd.s32 $0x8F2B, s0  }
0x35: {  	[sflag:s0] =	ssyncadd.remote.s32 $0x1  }
0x36: {  	_ =	sfence.sel $0xFFFF  }
0x37: {  	[dreg:$0x0] =	wrdreg $0xFFFFFFFF;
	(pc) =	sbr.abs _section_cstart, $3  }
0x38: {  	[dreg:$0x1] =	wrdreg $0xFFFFFFFF  }
0x39: {  	_ =	task.clear_ibuf [dreg:s7], $0x2FFFF;
	_ =	strace $0x9FFFFFFF  }
0x3a: {  	(tm) =	ssettm $0x7FFFFFFF  }
0x3b: {  	_ =	shalt  }
tec
execute0_lowered:
.L_overlay_start_1:
0x0: {  	(tag) =	ssettag $0x1  }
0x1: {  	s4 =	rddreg [dreg:$0x0]  }
0x2: {  	s0 =	stileid.u32;
	s2 =	rddreg [dreg:$0x1]  }
0x3: {  	s7 =	srdreg.scid;
	s8 =	simm.s32 $0x2;
	s17 =	simm.s32 $0x0  }
0x4: {  	s9 =	simm.s32 $0x2000;
	s19 =	simm.s32 $0x0;
	s18 =	simm.s32 $0x0  }
0x5: {  	s10 =	simm.s32 $0x0;
	s11 =	simm.s32 $0x0;
	s1 =	sshll.u32 s0, $0x7  }
0x6: {  	s12 =	simm.s32 $0x0;
	s13 =	simm.s32 $0x0;
	s3 =	sand.u32 $0x380, s1  }
0x7: {  	s16 =	simm.s32 $0x0;
	s7 =	sshll.u32 s7, $0x4;
	s5 =	ssub.s32 $0x400, s3  }
0x8: {  	s4 =	sadd.s32 $0x31AC00, s4;
	s1 =	rddreg [dreg:$0x2];
	s6 =	sand.u32 $0x380, s5  }
0x9: {  	s7 =	sand.u32 $0x10, s7;
	p0 =	sne.s32 s6, $0x0;
	s6 =	simm.s32 $0x1  }
.Ltmp0:
0xa: {  	s5 =	sshrl.u32 s5, $0xA;
	s6 =	simm.s32 @!p0 $0x0;
	(pc) =	sbr.rel .LBB1_1-.Ltmp0, $4  }
0xb: {  	_ =	strace $0x8000004A;
	s7 =	sor.u32 s0, s7;
	s6 =	sadd.s32 s6, s5  }
0xc: {  	s7 =	sshrl.u32 s7, $0x3;
	s5 =	simm.s32 $0x1;
	s6 =	smul.u32 $0xFA, s6  }
0xd: {  	s15 =	smov.u32 s3;
	s14 =	smov.u32 s7;
	[sflag:s5] =	ssyncpa.u1 $0x0  }
0xe: {  	p0 =	por $0x0, $0x0;
	[sflag:s8] =	ssyncpa.u1 $0x0;
	s8 =	sor.u32 $0x1, s6  }
.LBB1_4:
0xf: {  	s25 =	sshll.u32 s10, $0xA;
	s24 =	sshra.s32 s24, $0x2;
	s26 =	sshll.u32 s12, $0x3  }
0x10: {  	p1 =	sgt.s32 s11, $0xC7;
	s27 =	smov.u32 s11;
	s28 =	sshra.s32 s11, $0x1F  }
0x11: {  	p2 =	sgt.s32 s12, $0x380;
	s31 =	sshra.s32 s12, $0x1F;
	s25 =	sand.u32 $0xFFFFE000, s25  }
0x12: {  	s26 =	sand.u32 $0xFFFFFC00, s26;
	s27 =	simm.s32 @!p1 $0xC7;
	s28 =	sand.u32 s28, s11  }
0x13: {  	[tilespmem:s22+$0x2040 ss:$0x81] =	vst.msk $0xffff, v4;
	s23 =	sadd.s32 s24, s23;
	s29 =	sadd.s32 s26, s25;
	s25 =	ssub.s32 s27, s28  }
0x14: {  	[tilespmem:s22+$0x2850 ss:$0x81] =	vst.msk $0xffff, v3;
	s27 =	smov.u32 s12;
	s28 =	smov.u32 s10;
	s26 =	sand.u32 s31, s12  }
0x15: {  	[tilespmem:s22+$0x3060 ss:$0x81] =	vst.msk $0xffff, v2;
	s24 =	sshrl.u32 s29, $0xA;
	s30 =	sadd.s32 $0xFFFFFF39, s25;
	s27 =	simm.s32 @!p2 $0x380  }
0x16: {  	v5 =	vld [tilespmem:s21+$0xFFFFFFD0];
	[tilespmem:s22+$0x0 ss:$0x81] =	vst.msk $0xffff, v1;
	p2 =	sgt.s32 s10, $0x1D8;
	s29 =	sshra.s32 s10, $0x1F;
	s22 =	ssub.s32 $0xC8, s25  }
0x17: {  	v58 =	vld [tilespmem:s21+$0xFFFFFFE0];
	p1 =	sgt.s32 s30, $0x0;
	s28 =	simm.s32 @!p2 $0x1D8;
	s29 =	sand.u32 s29, s10  }
0x18: {  	v59 =	vld [tilespmem:s21+$0xFFFFFFF0];
	s26 =	ssub.s32 s27, s26;
	s27 =	smulhi.u32 $0x6D3A07, s24;
	s28 =	ssub.s32 s28, s29  }
0x19: {  	v60 =	vld [tilespmem:s21+$0x0];
	s30 =	sadd.s32 $0xFFFFFC80, s26;
	s25 =	ssub.s32 $0x400, s26;
	s22 =	simm.s32 @p1 $0x0  }
0x1a: {  	v61 =	vld [tilespmem:s21+$0x10];
	[tilespmem:s23+$0x3870 ss:$0x81] =	vst.msk $0xffff, v0;
	s29 =	sand.u32 $0x78, s12;
	p2 =	sgt.s32 s30, $0x7F;
	s31 =	sadd.s32 $0xFFFFFE28, s28  }
0x1b: {  	v62 =	vld [tilespmem:s21+$0x20];
	[tilespmem:s23+$0x810 ss:$0x81] =	vst.msk $0xffff, v5;
	s27 =	smul.u32 $0x258, s27;
	s30 =	sshll.u32 s10, $0x7;
	s28 =	ssub.s32 $0x258, s28  }
0x1c: {  	v63 =	vld [tilespmem:s21+$0xFFFFFFC0];
	[tilespmem:s23+$0x1020 ss:$0x81] =	vst.msk $0xffff, v58;
	s25 =	simm.s32 @p2 $0x0;
	p1 =	sgt.s32 s31, $0x7F;
	s31 =	smul.u32 $0x12C00, s11  }
0x1d: {  	[tilespmem:s23+$0x1830 ss:$0x81] =	vst.msk $0xffff, v59;
	s21 =	sand.u32 $0x380, s30;
	s22 =	smul.u32 s25, s22;
	s28 =	simm.s32 @p1 $0x0  }
0x1e: {  	[tilespmem:s23+$0x2040 ss:$0x81] =	vst.msk $0xffff, v60;
	s21 =	sor.u32 s29, s21;
	s24 =	ssub.s32 s24, s27;
	s29 =	sand.u32 $0x7, s12  }
0x1f: {  	[tilespmem:s23+$0x2850 ss:$0x81] =	vst.msk $0xffff, v61;
	s21 =	sshrl.u32 s21, $0x3;
	s25 =	sadd.s32 s2, s31;
	s22 =	smul.u32 s28, s22  }
0x20: {  	[tilespmem:s23+$0x3060 ss:$0x81] =	vst.msk $0xffff, v62;
	s24 =	sshll.u32 s24, $0x7;
	s30 =	sshll.u32 s29, $0x12;
	s21 =	sadd.s32 s21, s25  }
0x21: {  	[tilespmem:s23+$0x0 ss:$0x81] =	vst.msk $0xffff, v63;
	s31 =	sor.u32 $0x400, s30;
	s21 =	sadd.s32 s24, s21;
	s22 =	sand.u32 $0x3FFFFFFF, s22  }
0x22: {  	[hbm4b:s21+s31] =	stream.strided.scatter [tilespmem:s20], [sflag:$0x2], s22, s9, s31, $0x20;
	[tilespmem:$0x10100] =	vst v63  }
.LBB1_5:
0x23: {  	p1 =	slt.u32 s16, $0x2  }
0x24: {  	p2 =	sgt.s32 @!p1 s19, $0xC7  }
0x25: {  	s20 =	smov.u32 s19;
	s21 =	sshra.s32 @!p1 s19, $0x1F;
	p2 =	por !p2, p1  }
0x26: {  	s19 =	sand.u32 @!p1 s21, s19;
	s20 =	simm.s32 @p2 $0xC7  }
0x27: {  	p3 =	sgt.s32 @!p1 s18, $0x380;
	s19 =	ssub.s32 @!p1 s20, s19  }
0x28: {  	p3 =	por !p3, p1;
	s21 =	sshra.s32 @!p1 s18, $0x1F;
	s20 =	sadd.s32 @!p1 $0xFFFFFF39, s19  }
0x29: {  	s19 =	ssub.s32 @!p1 $0xC8, s19;
	p2 =	sgt.s32 @!p1 s20, $0x0;
	s20 =	smov.u32 s18  }
0x2a: {  	s18 =	sand.u32 @!p1 s21, s18;
	s20 =	simm.s32 @p3 $0x380;
	p3 =	sgt.s32 @!p1 s17, $0x1D8  }
0x2b: {  	s21 =	smov.u32 s17;
	p2 =	por !p2, p1;
	p3 =	por !p3, p1  }
0x2c: {  	s18 =	ssub.s32 @!p1 s20, s18;
	s20 =	sshra.s32 @!p1 s17, $0x1F;
	s19 =	simm.s32 @!p2 $0x0  }
0x2d: {  	s21 =	simm.s32 @p3 $0x1D8;
	s17 =	sand.u32 @!p1 s20, s17;
	s20 =	sadd.s32 @!p1 $0xFFFFFC80, s18  }
0x2e: {  	s18 =	ssub.s32 @!p1 $0x400, s18;
	s17 =	ssub.s32 @!p1 s21, s17;
	p2 =	sgt.s32 @!p1 s20, $0x7F  }
0x2f: {  	s21 =	smov.u32 s14;
	s20 =	sadd.s32 @!p1 $0xFFFFFE28, s17;
	p2 =	por !p2, p1  }
0x30: {  	s17 =	ssub.s32 @!p1 $0x258, s17;
	p3 =	sgt.s32 @!p1 s20, $0x7F;
	s18 =	simm.s32 @!p2 $0x0  }
0x31: {  	s20 =	sadd.s32 $0x80, s13;
	p2 =	por !p3, p1;
	s18 =	smul.u32 @!p1 s18, s19  }
0x32: {  	s19 =	sadd.s32 $0x4, s14;
	s17 =	simm.s32 @!p2 $0x0;
	p2 =	sgt.s32 s20, $0x257  }
0x33: {  	s22 =	smov.u32 s15;
	s21 =	smov.u32 @p2 s19  }
0x34: {  	s17 =	smul.u32 @!p1 s17, s18;
	s18 =	sadd.s32 $0x400, s15;
	p3 =	sgt.s32 s21, $0xC7  }
0x35: {  	p0 =	por !p0, !p0;
	s23 =	simm.s32 @!p1 $0x2;
	s22 =	smov.u32 @p3 s18  }
0x36: {  	s20 =	simm.s32 @p2 $0x0;
	s19 =	smov.u32 s11;
	p2 =	sgt.s32 s22, $0x3FF  }
0x37: {  	s11 =	smov.u32 s14;
	s22 =	smov.u32 @p2 s3;
	p2 =	sne.s32 s16, s8  }
.Ltmp1:
0x38: {  	s17 =	sand.u32 @!p1 $0x3FFFFFFF, s17;
	s21 =	smov.u32 @p3 s7;
	(pc) =	sbr.rel @!p2 .LBB1_6-.Ltmp1, $4  }
0x39: {  	s18 =	smov.u32 s12;
	s12 =	smov.u32 s15;
	_ =	swait.ge @!p1 [sflag:s23], s17  }
0x3a: {  	s24 =	ssub.s32 @!p1 $0x0, s17;
	s17 =	smov.u32 s10;
	s10 =	smov.u32 s13  }
0x3b: {  	s13 =	smov.u32 s20;
	s14 =	smov.u32 s21;
	[sflag:s23] =	ssyncset.done @!p1 $0x0  }
0x3c: {  	s16 =	sadd.s32 $0x1, s16;
	[sflag:s23] =	ssyncadd.s32 @!p1 s24;
	s15 =	smov.u32 s22  }
.LBB1_1:
0x3d: {  	p1 =	sge.u32 s16, s6  }
0x3e: {  	s20 =	sshrl.u32 @!p1 s14, $0x3  }
0x3f: {  	s21 =	sshll.u32 @!p1 s13, $0x3;
	s20 =	smul.u32 @!p1 $0x1400, s20  }
0x40: {  	s22 =	sshll.u32 @!p1 s14, $0x7;
	s21 =	sand.u32 @!p1 $0xFFFFFC00, s21  }
0x41: {  	s20 =	sadd.s32 @!p1 s20, s21;
	s21 =	sand.u32 @!p1 $0x380, s22  }
0x42: {  	s20 =	sor.u32 @!p1 s21, s20  }
0x43: {  	s21 =	sand.u32 @!p1 $0x7F, s13;
	s22 =	smulhi.u32 @!p1 $0xCCCCCCCD, s20  }
0x44: {  	s20 =	sor.u32 @!p1 s21, s20  }
0x45: {  	s21 =	smulhi.u32 @!p1 $0xCCCCCCCD, s20;
	s22 =	sshrl.u32 @!p1 s22, $0x9  }
0x46: {  	s23 =	smulhi.u32 @!p1 $0x147AE15, s22;
	_ =	sdelay $0x1  }
0x47: {  	s21 =	sshrl.u32 @!p1 s21, $0x9;
	s23 =	smul.u32 @!p1 $0xC8, s23  }
0x48: {  	s31 =	sadd.s32 $0xFFFFFFFF, s16;
	s21 =	smul.u32 @!p1 $0x280, s21  }
0x49: {  	s24 =	sxor.u32 @!p1 $0xFFFFFFFF, s16;
	s22 =	ssub.s32 @!p1 s22, s23;
	s23 =	smul.u32 @!p1 $0x3E80, s15  }
0x4a: {  	s24 =	sshll.u32 @!p1 s24, $0xE;
	s20 =	ssub.s32 @!p1 s20, s21;
	s21 =	smul.u32 @!p1 $0x50, s22  }
0x4b: {  	s22 =	sand.u32 @!p1 $0x4000, s24;
	s24 =	sand.u32 @!p1 $0x7, s20;
	s23 =	sadd.s32 @!p1 s4, s23  }
0x4c: {  	s20 =	sshrl.u32 @!p1 s20, $0x3;
	s21 =	sadd.s32 @!p1 s21, s23;
	s23 =	sshll.u32 @!p1 s24, $0x12  }
0x4d: {  	s20 =	sadd.s32 @!p1 s20, s21;
	s21 =	sor.u32 @!p1 $0x80, s23;
	s23 =	simm.s32 @!p1 $0x1F400  }
0x4e: {  	[tilespmem:s22], [sflag:$0x1] =	stream.strided.gather @!p1 [hbm4b:s20+s21], $0x4000, s23, s21, $0x38;
	[tilespmem:$0x10100] =	vst v63  }
0x4f: {  	p1 =	sge.u32 s31, s6  }
.Ltmp2:
0x50: {  	_ = 	snop;
	(pc) =	sbr.rel @p1 .LBB1_5-.Ltmp2, $1  }
0x51: {  	_ =	sdelay $0x3  }
0x52: {  	s20 =	simm.s32 $0x1  }
0x53: {  	_ =	swait.ge [sflag:s5], $0x4000;
	s20 =	simm.s32 @!p0 $0x0  }
0x54: {  	[sflag:s5] =	ssyncset.done $0x0;
	s21 =	sshll.u32 s20, $0xE  }
0x55: {  	[sflag:s5] =	ssyncadd.s32 $0xFFFFC000;
	s21 =	sor.u32 $0x40, s21  }
0x56: {  	s20 =	smul.u32 $0x10200, s20;
	v0 =	vld [tilespmem:s21+$0x30]  }
0x57: {  	v1 =	vld [tilespmem:s21+$0xFFFFFFD0]  }
0x58: {  	s20 =	sshrl.u32 s20, $0x2;
	v5 =	vld [tilespmem:s21+$0xFFFFFFE0]  }
0x59: {  	v6 =	vld [tilespmem:s21+$0xFFFFFFF0];
	s23 =	sor.u32 $0x8000, s20  }
0x5a: {  	s31 =	sand.u32 $0x1, s16;
	v4 =	vld [tilespmem:s21+$0x0];
	s22 =	sadd.s32 $0x0, s23  }
0x5b: {  	v3 =	vld [tilespmem:s21+$0x10];
	s20 =	smul.u32 $0x10200, s31;
	[tilespmem:s22+$0x3870 ss:$0x81] =	vst.msk $0xffff, v0  }
0x5c: {  	v2 =	vld [tilespmem:s21+$0x20];
	[tilespmem:s22+$0x810 ss:$0x81] =	vst.msk $0xffff, v1  }
0x5d: {  	s20 =	sshrl.u32 s20, $0x2;
	v1 =	vld [tilespmem:s21+$0xFFFFFFC0];
	[tilespmem:s22+$0x1020 ss:$0x81] =	vst.msk $0xffff, v5;
	s21 =	sadd.s32 $0x80, s21  }
0x5e: {  	s24 =	simm.s32 $0x4;
	s25 =	simm.s32 $0x8;
	s20 =	sor.u32 $0x8000, s20;
	[tilespmem:s22+$0x1830 ss:$0x81] =	vst.msk $0xffff, v6;
	v0 =	vld [tilespmem:s21+$0x30]  }
.LBB1_3:
0x5f: {  	p1 =	sne.s32 s25, $0x1FC;
	v5 =	vld [tilespmem:s21+$0xFFFFFFD0];
	[tilespmem:s22+$0x2040 ss:$0x81] =	vst.msk $0xffff, v4  }
0x60: {  	v6 =	vld [tilespmem:s21+$0xFFFFFFE0];
	[tilespmem:s22+$0x2850 ss:$0x81] =	vst.msk $0xffff, v3  }
0x61: {  	s26 =	sshra.s32 s24, $0x2;
	s24 =	smov.u32 s25;
	v7 =	vld [tilespmem:s21+$0xFFFFFFF0];
	[tilespmem:s22+$0x3060 ss:$0x81] =	vst.msk $0xffff, v2  }
.Ltmp3:
0x62: {  	v4 =	vld [tilespmem:s21+$0x0];
	[tilespmem:s22+$0x0 ss:$0x81] =	vst.msk $0xffff, v1;
	s22 =	sadd.s32 s26, s23;
	(pc) =	sbr.rel @p1 .LBB1_3-.Ltmp3, $4  }
0x63: {  	v3 =	vld [tilespmem:s21+$0x10];
	[tilespmem:s22+$0x3870 ss:$0x81] =	vst.msk $0xffff, v0  }
0x64: {  	[tilespmem:s22+$0x810 ss:$0x81] =	vst.msk $0xffff, v5;
	v2 =	vld [tilespmem:s21+$0x20]  }
0x65: {  	v1 =	vld [tilespmem:s21+$0xFFFFFFC0];
	[tilespmem:s22+$0x1020 ss:$0x81] =	vst.msk $0xffff, v6;
	s21 =	sadd.s32 $0x80, s21  }
0x66: {  	s25 =	sadd.s32 $0x4, s25;
	v0 =	vld [tilespmem:s21+$0x30];
	[tilespmem:s22+$0x1830 ss:$0x81] =	vst.msk $0xffff, v7  }
.Ltmp4:
0x67: {  	_ = 	snop;
	(pc) =	sbr.rel .LBB1_4-.Ltmp4, $1  }
0x68: {  	_ =	sdelay $0x3  }
.LBB1_6:
0x69: {  	_ =	sfence.sel $0x180000  }
0x6a: {  	s2 =	simm.s32 $0x1;
	[bflag:$0x0] =	sbarrier.arrive $0xFFFF  }
0x6b: {  	s31 =	simm.s32 $0x2;
	[sflag:s2] =	ssyncpa.u1 $0x1  }
0x6c: {  	[sflag:s31] =	ssyncpa.u1 $0x1  }
0x6d: {  	p0 =	sne.s32 s0, $0x0;
	_ =	strace $0x9000004A  }
0x6e: {  	s0 =	sadd.s32 @!p0 $0x100000, s1;
	[bflag:$0x2] =	sbarrier.arrive $0xFFFF  }
0x6f: {  	[sflag:s0] =	ssyncadd.tile.s32 @!p0 $0x1;
	_ =	shalt  }
.Lfunc_end1:
_tile_overlayer_lowered:
.L_overlay_start_2:
0x70: {  	(tag) =	ssettag $0x2  }
0x71: {  	s0 =	rddreg [dreg:$0x0];
	s2 =	stileid.u32  }
0x72: {  	s1 =	rddreg [dreg:$0x1];
	p0 =	sne.s32 s2, $0x0  }
0x73: {  	s3 =	rddreg [dreg:$0x2];
	[bflag:$0x3] =	sbarrier.arrive $0xFFFF;
	s2 =	simm.s32 @!p0 $0x1C01  }
0x74: {  	[timem:s3], [sflag:s2] =	dma.local @!p0 [hbm:s0], s1  }
0x75: {  	s0 =	simm.s32 @!p0 $0x1  }
0x76: {  	_ =	swait.ge @!p0 [sflag:s0], s1  }
0x77: {  	s1 =	ssub.s32 @!p0 $0x0, s1;
	[sflag:s0] =	ssyncset.done @!p0 $0x0  }
0x78: {  	[sflag:s0] =	ssyncadd.s32 @!p0 s1  }
0x79: {  	[bflag:$0x3] =	sbarrier.arrive $0xFFFF  }
0x7a: {  	_ =	shalt  }

</sc_bundles>
